<compile_context>
chip_gen: v7x
topology: tpu7x:2x2x1
jax: 0.10.2.dev20260603
libtpu: 0.0.44.dev20260713+nightly
codegen_flags: <defaults>
</compile_context>

<pallas_src>
import jax
import jax.numpy as jnp
from jax import lax
from jax.experimental import pallas as pl
from jax.experimental.pallas import tpu as pltpu
from jax.experimental.pallas import tpu_sc as plsc

_INFO = plsc.get_sparse_core_info()
_NC = _INFO.num_cores
_NS = _INFO.num_subcores
_NW = _NC * _NS

_BATCH = 16384
_HIDDEN = 128
_BPW = _BATCH // _NW
_CHUNK = 128
_NCHUNK = _BPW // _CHUNK
_UNITS = 2 * _NCHUNK
_NBUF = 6
_LAG = 2

_RV = 1000
_RBLK = 1024


def _ht_body(h_idx_hbm, t_idx_hbm, ent_hbm,
             h_out, t_out,
             idx_v, rows_v, *sems):
    gsems = sems[:_NBUF]
    wsems = sems[_NBUF:]
    wid = lax.axis_index("s") * _NC + lax.axis_index("c")
    base = wid * _BPW

    pltpu.sync_copy(h_idx_hbm.at[pl.ds(wid * _NCHUNK, _NCHUNK)],
                    idx_v.at[pl.ds(0, _NCHUNK)])
    pltpu.sync_copy(t_idx_hbm.at[pl.ds(wid * _NCHUNK, _NCHUNK)],
                    idx_v.at[pl.ds(_NCHUNK, _NCHUNK)])

    outs = [h_out] * _NCHUNK + [t_out] * _NCHUNK

    gcp = [None] * _NBUF
    wcp = [None] * _NBUF
    for step in range(_UNITS + _LAG):
        u = step
        if u < _UNITS:
            b = u % _NBUF
            if wcp[b] is not None:
                wcp[b].wait()
            gcp[b] = pltpu.async_copy(
                ent_hbm.at[idx_v.at[u]], rows_v.at[b], gsems[b])
        v = step - _LAG
        if v >= 0:
            b = v % _NBUF
            gcp[b].wait()
            wcp[b] = pltpu.async_copy(
                rows_v.at[b],
                outs[v].at[pl.ds(base + (v % _NCHUNK) * _CHUNK, _CHUNK)],
                wsems[b])
    for b in range(_NBUF):
        if wcp[b] is not None:
            wcp[b].wait()


def _r_body(r_ref, rel_ref, out_ref):
    rblk = r_ref[...].reshape(_RBLK // _CHUNK, _CHUNK)
    iota = lax.broadcasted_iota(jnp.int32, (_RV, _CHUNK), 0)
    onehot_t = jnp.concatenate(
        [jnp.where(rblk[j:j + 1, :] == iota, 1.0, 0.0)
         for j in range(_RBLK // _CHUNK)], axis=1
    ).astype(jnp.bfloat16)
    rel_f32 = rel_ref[...]
    rel_hi = rel_f32.astype(jnp.bfloat16)
    rel_lo = (rel_f32 - rel_hi.astype(jnp.float32)).astype(jnp.bfloat16)
    rel_cat = jnp.concatenate([rel_hi, rel_lo], axis=1)
    acc = lax.dot_general(onehot_t, rel_cat, (((0,), (0,)), ((), ())),
                          preferred_element_type=jnp.float32)
    out_ref[...] = acc[:, :_HIDDEN] + acc[:, _HIDDEN:]


@jax.jit
def _trans_e(h2, t2, r2, ent_table, rel_table):
    out = jax.ShapeDtypeStruct((_BATCH, _HIDDEN), jnp.float32)
    h_emb, t_emb = pl.kernel(
        _ht_body,
        out_type=(out, out),
        mesh=plsc.VectorSubcoreMesh(core_axis_name="c", subcore_axis_name="s"),
        scratch_types=(
            [pltpu.VMEM((_UNITS, _CHUNK), jnp.int32),
             pltpu.VMEM((_NBUF, _CHUNK, _HIDDEN), jnp.float32)]
            + [pltpu.SemaphoreType.DMA] * (2 * _NBUF)
        ),
    )(h2, t2, ent_table)
    r_emb = pl.pallas_call(
        _r_body,
        grid=(_BATCH // _RBLK,),
        in_specs=[
            pl.BlockSpec((_RBLK // _CHUNK, 1, _CHUNK), lambda i: (i, 0, 0)),
            pl.BlockSpec((_RV, _HIDDEN), lambda i: (0, 0)),
        ],
        out_specs=pl.BlockSpec((_RBLK, _HIDDEN), lambda i: (i, 0)),
        out_shape=out,
    )(r2.reshape(_BATCH // _CHUNK, 1, _CHUNK), rel_table)
    return h_emb, t_emb, r_emb


def kernel(h, r, t, ent_table, rel_table):
    shape2d = (_BATCH // _CHUNK, _CHUNK)
    h2 = h.reshape(shape2d)
    t2 = t.reshape(shape2d)
    r2 = r.reshape(shape2d)
    return _trans_e(h2, t2, r2, ent_table, rel_table)

# --- scband reference (transcript-rebuilt; emitter-appended) ---
"""Pipeline reference for scband-trans-e-54176717472069 (READ-ONLY COPY).

The authoritative reference and input builder live on the scoring server;
editing this copy changes nothing except your own understanding.
"""

import jax, jax.numpy as jnp
import numpy as np

ENT_VOCAB = 1000000
REL_VOCAB = 1000
HIDDEN = 128
BATCH = 16384


def setup_inputs(seed: int = 0) -> dict:
    key = jax.random.key(seed)
    k1, k2, k3, k4, k5 = jax.random.split(key, 5)
    h = jax.random.randint(k1, (BATCH,), 0, ENT_VOCAB, dtype=jnp.int64 if jax.config.jax_enable_x64 else jnp.int32).astype(jnp.int32)
    r = jax.random.randint(k2, (BATCH,), 0, REL_VOCAB).astype(jnp.int32)
    t = jax.random.randint(k3, (BATCH,), 0, ENT_VOCAB).astype(jnp.int32)
    ent_table = jax.random.normal(k4, (ENT_VOCAB, HIDDEN), dtype=jnp.float32)
    rel_table = jax.random.normal(k5, (REL_VOCAB, HIDDEN), dtype=jnp.float32)
    return {"h": h, "r": r, "t": t, "ent_table": ent_table, "rel_table": rel_table}


def reference(h, r, t, ent_table, rel_table):
    # TransE.forward: embedding lookups for head, tail, relation
    h_emb = jnp.take(ent_table, h, axis=0)
    t_emb = jnp.take(ent_table, t, axis=0)
    r_emb = jnp.take(rel_table, r, axis=0)
    return (h_emb, t_emb, r_emb)

if __name__ == "__main__":
    import jax
    _d = setup_inputs()
    print(jax.jit(kernel)(*tuple(_d.values())))

</pallas_src>

<mosaic_0001>
#map = affine_map<(d0, d1) -> (0, 0)>
module attributes {stable_mosaic.version = 14 : i64} {
  func.func @_ht_body(%arg0: i32, %arg1: i32, %arg2: memref<128x128xi32, #tpu.memory_space<hbm>>, %arg3: memref<128x128xi32, #tpu.memory_space<hbm>>, %arg4: memref<1000000x128xf32, #tpu.memory_space<hbm>>, %arg5: memref<16384x128xf32, #tpu.memory_space<hbm>>, %arg6: memref<16384x128xf32, #tpu.memory_space<hbm>>, %arg7: memref<8x128xi32, #tpu.memory_space<vmem>>, %arg8: memref<6x128x128xf32, #tpu.memory_space<vmem>>, %arg9: memref<!tpu.dma_semaphore, #tpu.memory_space<semaphore_mem>>, %arg10: memref<!tpu.dma_semaphore, #tpu.memory_space<semaphore_mem>>, %arg11: memref<!tpu.dma_semaphore, #tpu.memory_space<semaphore_mem>>, %arg12: memref<!tpu.dma_semaphore, #tpu.memory_space<semaphore_mem>>, %arg13: memref<!tpu.dma_semaphore, #tpu.memory_space<semaphore_mem>>, %arg14: memref<!tpu.dma_semaphore, #tpu.memory_space<semaphore_mem>>, %arg15: memref<!tpu.dma_semaphore, #tpu.memory_space<semaphore_mem>>, %arg16: memref<!tpu.dma_semaphore, #tpu.memory_space<semaphore_mem>>, %arg17: memref<!tpu.dma_semaphore, #tpu.memory_space<semaphore_mem>>, %arg18: memref<!tpu.dma_semaphore, #tpu.memory_space<semaphore_mem>>, %arg19: memref<!tpu.dma_semaphore, #tpu.memory_space<semaphore_mem>>, %arg20: memref<!tpu.dma_semaphore, #tpu.memory_space<semaphore_mem>>) attributes {dimension_semantics = [#tpu.dimension_semantics<core_parallel>, #tpu.dimension_semantics<subcore_parallel>], iteration_bounds = array<i64: 2, 16>, scalar_prefetch = 0 : i64, scratch_operands = 14 : i64, tpu.core_type = #tpu.core_type<sc_vector_subcore>, window_params = [{transform_indices = #map}, {transform_indices = #map}, {transform_indices = #map}, {transform_indices = #map}, {transform_indices = #map}]} {
    %mul3A = arith.constant 2 : i32
    %mul3A_0 = arith.muli %arg1, %mul3A : i32
    %add3A = arith.addi %mul3A_0, %arg0 : i32
    %mul3A_1 = arith.constant 512 : i32
    %mul3A_2 = arith.muli %add3A, %mul3A_1 : i32
    %mul3A_3 = arith.constant 4 : i32
    %mul3A_4 = arith.muli %add3A, %mul3A_3 : i32
    "tpu.region"() ({
      %run_scoped3A = tpu.sem_alloc : memref<!tpu.dma_semaphore, #tpu.memory_space<semaphore_mem>>
      %dma_start3A_421 = arith.constant 0 : i32
      %dma_start3A_422 = arith.constant 0 : i32
      %dma_start3A_423 = tpu.memref_slice %arg7[%dma_start3A_421, %dma_start3A_422] : memref<8x128xi32, #tpu.memory_space<vmem>> -> memref<4x128xi32, #tpu.memory_space<vmem>>
      %dma_start3A_424 = arith.constant 0 : i32
      %dma_start3A_425 = tpu.memref_slice %arg2[%mul3A_4, %dma_start3A_424] : memref<128x128xi32, #tpu.memory_space<hbm>> -> memref<4x128xi32, #tpu.memory_space<hbm>>
      %dma_start3A_426 = arith.constant 0 : i32
      %dma_start3A_427 = arith.constant 0 : i32
      %dma_start3A_428 = tpu.memref_slice %arg7[%dma_start3A_426, %dma_start3A_427] : memref<8x128xi32, #tpu.memory_space<vmem>> -> memref<4x128xi32, #tpu.memory_space<vmem>>
      %dma_start3A_429 = arith.constant 0 : i32
      %dma_start3A_430 = tpu.memref_slice %arg2[%mul3A_4, %dma_start3A_429] : memref<128x128xi32, #tpu.memory_space<hbm>> -> memref<4x128xi32, #tpu.memory_space<hbm>>
      tpu.enqueue_dma source(%dma_start3A_430 : memref<4x128xi32, #tpu.memory_space<hbm>>) target(%dma_start3A_428 : memref<4x128xi32, #tpu.memory_space<vmem>>) target_semaphore(%run_scoped3A : memref<!tpu.dma_semaphore, #tpu.memory_space<semaphore_mem>>)
      %dma_wait3A_431 = arith.constant 0 : i32
      %dma_wait3A_432 = arith.constant 0 : i32
      %dma_wait3A_433 = tpu.memref_slice %arg7[%dma_wait3A_431, %dma_wait3A_432] : memref<8x128xi32, #tpu.memory_space<vmem>> -> memref<4x128xi32, #tpu.memory_space<vmem>>
      %dma_wait3A_434 = arith.constant 0 : i32
      %dma_wait3A_435 = tpu.memref_slice %arg2[%mul3A_4, %dma_wait3A_434] : memref<128x128xi32, #tpu.memory_space<hbm>> -> memref<4x128xi32, #tpu.memory_space<hbm>>
      %dma_wait3A_436 = arith.constant 0 : i32
      %dma_wait3A_437 = arith.constant 0 : i32
      %dma_wait3A_438 = tpu.memref_slice %arg7[%dma_wait3A_436, %dma_wait3A_437] : memref<8x128xi32, #tpu.memory_space<vmem>> -> memref<4x128xi32, #tpu.memory_space<vmem>>
      %dma_wait3A_439 = arith.constant 0 : i32
      %dma_wait3A_440 = tpu.memref_slice %arg2[%mul3A_4, %dma_wait3A_439] : memref<128x128xi32, #tpu.memory_space<hbm>> -> memref<4x128xi32, #tpu.memory_space<hbm>>
      tpu.wait_dma2 semaphore(%run_scoped3A : memref<!tpu.dma_semaphore, #tpu.memory_space<semaphore_mem>>) src(%dma_wait3A_440 : memref<4x128xi32, #tpu.memory_space<hbm>>) dst(%dma_wait3A_438 : memref<4x128xi32, #tpu.memory_space<vmem>>)
      tpu.yield
    }) : () -> ()
    %mul3A_5 = arith.constant 4 : i32
    %mul3A_6 = arith.muli %add3A, %mul3A_5 : i32
    "tpu.region"() ({
      %run_scoped3A = tpu.sem_alloc : memref<!tpu.dma_semaphore, #tpu.memory_space<semaphore_mem>>
      %dma_start3A_421 = arith.constant 4 : i32
      %dma_start3A_422 = arith.constant 0 : i32
      %dma_start3A_423 = tpu.memref_slice %arg7[%dma_start3A_421, %dma_start3A_422] : memref<8x128xi32, #tpu.memory_space<vmem>> -> memref<4x128xi32, #tpu.memory_space<vmem>>
      %dma_start3A_424 = arith.constant 0 : i32
      %dma_start3A_425 = tpu.memref_slice %arg3[%mul3A_6, %dma_start3A_424] : memref<128x128xi32, #tpu.memory_space<hbm>> -> memref<4x128xi32, #tpu.memory_space<hbm>>
      %dma_start3A_426 = arith.constant 4 : i32
      %dma_start3A_427 = arith.constant 0 : i32
      %dma_start3A_428 = tpu.memref_slice %arg7[%dma_start3A_426, %dma_start3A_427] : memref<8x128xi32, #tpu.memory_space<vmem>> -> memref<4x128xi32, #tpu.memory_space<vmem>>
      %dma_start3A_429 = arith.constant 0 : i32
      %dma_start3A_430 = tpu.memref_slice %arg3[%mul3A_6, %dma_start3A_429] : memref<128x128xi32, #tpu.memory_space<hbm>> -> memref<4x128xi32, #tpu.memory_space<hbm>>
      tpu.enqueue_dma source(%dma_start3A_430 : memref<4x128xi32, #tpu.memory_space<hbm>>) target(%dma_start3A_428 : memref<4x128xi32, #tpu.memory_space<vmem>>) target_semaphore(%run_scoped3A : memref<!tpu.dma_semaphore, #tpu.memory_space<semaphore_mem>>)
      %dma_wait3A_431 = arith.constant 4 : i32
      %dma_wait3A_432 = arith.constant 0 : i32
      %dma_wait3A_433 = tpu.memref_slice %arg7[%dma_wait3A_431, %dma_wait3A_432] : memref<8x128xi32, #tpu.memory_space<vmem>> -> memref<4x128xi32, #tpu.memory_space<vmem>>
      %dma_wait3A_434 = arith.constant 0 : i32
      %dma_wait3A_435 = tpu.memref_slice %arg3[%mul3A_6, %dma_wait3A_434] : memref<128x128xi32, #tpu.memory_space<hbm>> -> memref<4x128xi32, #tpu.memory_space<hbm>>
      %dma_wait3A_436 = arith.constant 4 : i32
      %dma_wait3A_437 = arith.constant 0 : i32
      %dma_wait3A_438 = tpu.memref_slice %arg7[%dma_wait3A_436, %dma_wait3A_437] : memref<8x128xi32, #tpu.memory_space<vmem>> -> memref<4x128xi32, #tpu.memory_space<vmem>>
      %dma_wait3A_439 = arith.constant 0 : i32
      %dma_wait3A_440 = tpu.memref_slice %arg3[%mul3A_6, %dma_wait3A_439] : memref<128x128xi32, #tpu.memory_space<hbm>> -> memref<4x128xi32, #tpu.memory_space<hbm>>
      tpu.wait_dma2 semaphore(%run_scoped3A : memref<!tpu.dma_semaphore, #tpu.memory_space<semaphore_mem>>) src(%dma_wait3A_440 : memref<4x128xi32, #tpu.memory_space<hbm>>) dst(%dma_wait3A_438 : memref<4x128xi32, #tpu.memory_space<vmem>>)
      tpu.yield
    }) : () -> ()
    %dma_start3A = arith.constant 0 : i32
    %dma_start3A_7 = arith.constant 0 : i32
    %dma_start3A_8 = arith.constant 0 : i32
    %dma_start3A_9 = arith.constant 0 : i32
    %dma_start3A_10 = tpu.memref_slice %arg8[%dma_start3A_7, %dma_start3A_8, %dma_start3A_9] : memref<6x128x128xf32, #tpu.memory_space<vmem>> -> memref<1x128x128xf32, #tpu.memory_space<vmem>>
    %dma_start3A_11 = tpu.memref_squeeze %dma_start3A_10 : memref<1x128x128xf32, #tpu.memory_space<vmem>> -> memref<128x128xf32, #tpu.memory_space<vmem>>
    %dma_start3A_12 = arith.constant 0 : i32
    %dma_start3A_13 = tpu.memref_slice %arg7[%dma_start3A, %dma_start3A_12] : memref<8x128xi32, #tpu.memory_space<vmem>> -> memref<1x128xi32, #tpu.memory_space<vmem>>
    %dma_start3A_14 = tpu.memref_squeeze %dma_start3A_13 : memref<1x128xi32, #tpu.memory_space<vmem>> -> memref<128xi32, #tpu.memory_space<vmem>>
    %dma_start3A_15 = arith.constant 0 : i32
    %dma_start3A_16 = arith.constant 0 : i32
    %dma_start3A_17 = tpu.memref_slice %arg4[%dma_start3A_15, %dma_start3A_16] : memref<1000000x128xf32, #tpu.memory_space<hbm>> -> memref<1000000x128xf32, #tpu.memory_space<hbm>>
    tpu.enqueue_indirect_dma source(%dma_start3A_17 : memref<1000000x128xf32, #tpu.memory_space<hbm>>) target(%dma_start3A_11 : memref<128x128xf32, #tpu.memory_space<vmem>>) offsets(%dma_start3A_14 : memref<128xi32, #tpu.memory_space<vmem>>) semaphore(%arg9 : memref<!tpu.dma_semaphore, #tpu.memory_space<semaphore_mem>>)
    %dma_start3A_18 = arith.constant 1 : i32
    %dma_start3A_19 = arith.constant 1 : i32
    %dma_start3A_20 = arith.constant 0 : i32
    %dma_start3A_21 = arith.constant 0 : i32
    %dma_start3A_22 = tpu.memref_slice %arg8[%dma_start3A_19, %dma_start3A_20, %dma_start3A_21] : memref<6x128x128xf32, #tpu.memory_space<vmem>> -> memref<1x128x128xf32, #tpu.memory_space<vmem>>
    %dma_start3A_23 = tpu.memref_squeeze %dma_start3A_22 : memref<1x128x128xf32, #tpu.memory_space<vmem>> -> memref<128x128xf32, #tpu.memory_space<vmem>>
    %dma_start3A_24 = arith.constant 0 : i32
    %dma_start3A_25 = tpu.memref_slice %arg7[%dma_start3A_18, %dma_start3A_24] : memref<8x128xi32, #tpu.memory_space<vmem>> -> memref<1x128xi32, #tpu.memory_space<vmem>>
    %dma_start3A_26 = tpu.memref_squeeze %dma_start3A_25 : memref<1x128xi32, #tpu.memory_space<vmem>> -> memref<128xi32, #tpu.memory_space<vmem>>
    %dma_start3A_27 = arith.constant 0 : i32
    %dma_start3A_28 = arith.constant 0 : i32
    %dma_start3A_29 = tpu.memref_slice %arg4[%dma_start3A_27, %dma_start3A_28] : memref<1000000x128xf32, #tpu.memory_space<hbm>> -> memref<1000000x128xf32, #tpu.memory_space<hbm>>
    tpu.enqueue_indirect_dma source(%dma_start3A_29 : memref<1000000x128xf32, #tpu.memory_space<hbm>>) target(%dma_start3A_23 : memref<128x128xf32, #tpu.memory_space<vmem>>) offsets(%dma_start3A_26 : memref<128xi32, #tpu.memory_space<vmem>>) semaphore(%arg10 : memref<!tpu.dma_semaphore, #tpu.memory_space<semaphore_mem>>)
    %dma_start3A_30 = arith.constant 2 : i32
    %dma_start3A_31 = arith.constant 2 : i32
    %dma_start3A_32 = arith.constant 0 : i32
    %dma_start3A_33 = arith.constant 0 : i32
    %dma_start3A_34 = tpu.memref_slice %arg8[%dma_start3A_31, %dma_start3A_32, %dma_start3A_33] : memref<6x128x128xf32, #tpu.memory_space<vmem>> -> memref<1x128x128xf32, #tpu.memory_space<vmem>>
    %dma_start3A_35 = tpu.memref_squeeze %dma_start3A_34 : memref<1x128x128xf32, #tpu.memory_space<vmem>> -> memref<128x128xf32, #tpu.memory_space<vmem>>
    %dma_start3A_36 = arith.constant 0 : i32
    %dma_start3A_37 = tpu.memref_slice %arg7[%dma_start3A_30, %dma_start3A_36] : memref<8x128xi32, #tpu.memory_space<vmem>> -> memref<1x128xi32, #tpu.memory_space<vmem>>
    %dma_start3A_38 = tpu.memref_squeeze %dma_start3A_37 : memref<1x128xi32, #tpu.memory_space<vmem>> -> memref<128xi32, #tpu.memory_space<vmem>>
    %dma_start3A_39 = arith.constant 0 : i32
    %dma_start3A_40 = arith.constant 0 : i32
    %dma_start3A_41 = tpu.memref_slice %arg4[%dma_start3A_39, %dma_start3A_40] : memref<1000000x128xf32, #tpu.memory_space<hbm>> -> memref<1000000x128xf32, #tpu.memory_space<hbm>>
    tpu.enqueue_indirect_dma source(%dma_start3A_41 : memref<1000000x128xf32, #tpu.memory_space<hbm>>) target(%dma_start3A_35 : memref<128x128xf32, #tpu.memory_space<vmem>>) offsets(%dma_start3A_38 : memref<128xi32, #tpu.memory_space<vmem>>) semaphore(%arg11 : memref<!tpu.dma_semaphore, #tpu.memory_space<semaphore_mem>>)
    %dma_wait3A = arith.constant 0 : i32
    %dma_wait3A_42 = arith.constant 0 : i32
    %dma_wait3A_43 = arith.constant 0 : i32
    %dma_wait3A_44 = arith.constant 0 : i32
    %dma_wait3A_45 = tpu.memref_slice %arg8[%dma_wait3A_42, %dma_wait3A_43, %dma_wait3A_44] : memref<6x128x128xf32, #tpu.memory_space<vmem>> -> memref<1x128x128xf32, #tpu.memory_space<vmem>>
    %dma_wait3A_46 = tpu.memref_squeeze %dma_wait3A_45 : memref<1x128x128xf32, #tpu.memory_space<vmem>> -> memref<128x128xf32, #tpu.memory_space<vmem>>
    %dma_wait3A_47 = arith.constant 0 : i32
    %dma_wait3A_48 = tpu.memref_slice %arg7[%dma_wait3A, %dma_wait3A_47] : memref<8x128xi32, #tpu.memory_space<vmem>> -> memref<1x128xi32, #tpu.memory_space<vmem>>
    %dma_wait3A_49 = tpu.memref_squeeze %dma_wait3A_48 : memref<1x128xi32, #tpu.memory_space<vmem>> -> memref<128xi32, #tpu.memory_space<vmem>>
    %dma_wait3A_50 = arith.constant 0 : i32
    %dma_wait3A_51 = arith.constant 0 : i32
    %dma_wait3A_52 = tpu.memref_slice %arg4[%dma_wait3A_50, %dma_wait3A_51] : memref<1000000x128xf32, #tpu.memory_space<hbm>> -> memref<1000000x128xf32, #tpu.memory_space<hbm>>
    tpu.wait_indirect_dma semaphore(%arg9 : memref<!tpu.dma_semaphore, #tpu.memory_space<semaphore_mem>>) src(%dma_wait3A_52 : memref<1000000x128xf32, #tpu.memory_space<hbm>>) dst(%dma_wait3A_46 : memref<128x128xf32, #tpu.memory_space<vmem>>)
    %add3A_53 = arith.constant 0 : i32
    %add3A_54 = arith.addi %mul3A_2, %add3A_53 : i32
    %dma_start3A_55 = arith.constant 0 : i32
    %dma_start3A_56 = arith.constant 0 : i32
    %dma_start3A_57 = arith.constant 0 : i32
    %dma_start3A_58 = tpu.memref_slice %arg8[%dma_start3A_55, %dma_start3A_56, %dma_start3A_57] : memref<6x128x128xf32, #tpu.memory_space<vmem>> -> memref<1x128x128xf32, #tpu.memory_space<vmem>>
    %dma_start3A_59 = tpu.memref_squeeze %dma_start3A_58 : memref<1x128x128xf32, #tpu.memory_space<vmem>> -> memref<128x128xf32, #tpu.memory_space<vmem>>
    %dma_start3A_60 = arith.constant 0 : i32
    %dma_start3A_61 = tpu.memref_slice %arg5[%add3A_54, %dma_start3A_60] : memref<16384x128xf32, #tpu.memory_space<hbm>> -> memref<128x128xf32, #tpu.memory_space<hbm>>
    %dma_start3A_62 = arith.constant 0 : i32
    %dma_start3A_63 = tpu.memref_slice %arg5[%add3A_54, %dma_start3A_62] : memref<16384x128xf32, #tpu.memory_space<hbm>> -> memref<128x128xf32, #tpu.memory_space<hbm>>
    %dma_start3A_64 = arith.constant 0 : i32
    %dma_start3A_65 = arith.constant 0 : i32
    %dma_start3A_66 = tpu.memref_slice %arg8[%dma_start3A_55, %dma_start3A_64, %dma_start3A_65] : memref<6x128x128xf32, #tpu.memory_space<vmem>> -> memref<1x128x128xf32, #tpu.memory_space<vmem>>
    %dma_start3A_67 = tpu.memref_squeeze %dma_start3A_66 : memref<1x128x128xf32, #tpu.memory_space<vmem>> -> memref<128x128xf32, #tpu.memory_space<vmem>>
    tpu.enqueue_dma source(%dma_start3A_67 : memref<128x128xf32, #tpu.memory_space<vmem>>) target(%dma_start3A_63 : memref<128x128xf32, #tpu.memory_space<hbm>>) target_semaphore(%arg15 : memref<!tpu.dma_semaphore, #tpu.memory_space<semaphore_mem>>)
    %dma_start3A_68 = arith.constant 3 : i32
    %dma_start3A_69 = arith.constant 3 : i32
    %dma_start3A_70 = arith.constant 0 : i32
    %dma_start3A_71 = arith.constant 0 : i32
    %dma_start3A_72 = tpu.memref_slice %arg8[%dma_start3A_69, %dma_start3A_70, %dma_start3A_71] : memref<6x128x128xf32, #tpu.memory_space<vmem>> -> memref<1x128x128xf32, #tpu.memory_space<vmem>>
    %dma_start3A_73 = tpu.memref_squeeze %dma_start3A_72 : memref<1x128x128xf32, #tpu.memory_space<vmem>> -> memref<128x128xf32, #tpu.memory_space<vmem>>
    %dma_start3A_74 = arith.constant 0 : i32
    %dma_start3A_75 = tpu.memref_slice %arg7[%dma_start3A_68, %dma_start3A_74] : memref<8x128xi32, #tpu.memory_space<vmem>> -> memref<1x128xi32, #tpu.memory_space<vmem>>
    %dma_start3A_76 = tpu.memref_squeeze %dma_start3A_75 : memref<1x128xi32, #tpu.memory_space<vmem>> -> memref<128xi32, #tpu.memory_space<vmem>>
    %dma_start3A_77 = arith.constant 0 : i32
    %dma_start3A_78 = arith.constant 0 : i32
    %dma_start3A_79 = tpu.memref_slice %arg4[%dma_start3A_77, %dma_start3A_78] : memref<1000000x128xf32, #tpu.memory_space<hbm>> -> memref<1000000x128xf32, #tpu.memory_space<hbm>>
    tpu.enqueue_indirect_dma source(%dma_start3A_79 : memref<1000000x128xf32, #tpu.memory_space<hbm>>) target(%dma_start3A_73 : memref<128x128xf32, #tpu.memory_space<vmem>>) offsets(%dma_start3A_76 : memref<128xi32, #tpu.memory_space<vmem>>) semaphore(%arg12 : memref<!tpu.dma_semaphore, #tpu.memory_space<semaphore_mem>>)
    %dma_wait3A_80 = arith.constant 1 : i32
    %dma_wait3A_81 = arith.constant 1 : i32
    %dma_wait3A_82 = arith.constant 0 : i32
    %dma_wait3A_83 = arith.constant 0 : i32
    %dma_wait3A_84 = tpu.memref_slice %arg8[%dma_wait3A_81, %dma_wait3A_82, %dma_wait3A_83] : memref<6x128x128xf32, #tpu.memory_space<vmem>> -> memref<1x128x128xf32, #tpu.memory_space<vmem>>
    %dma_wait3A_85 = tpu.memref_squeeze %dma_wait3A_84 : memref<1x128x128xf32, #tpu.memory_space<vmem>> -> memref<128x128xf32, #tpu.memory_space<vmem>>
    %dma_wait3A_86 = arith.constant 0 : i32
    %dma_wait3A_87 = tpu.memref_slice %arg7[%dma_wait3A_80, %dma_wait3A_86] : memref<8x128xi32, #tpu.memory_space<vmem>> -> memref<1x128xi32, #tpu.memory_space<vmem>>
    %dma_wait3A_88 = tpu.memref_squeeze %dma_wait3A_87 : memref<1x128xi32, #tpu.memory_space<vmem>> -> memref<128xi32, #tpu.memory_space<vmem>>
    %dma_wait3A_89 = arith.constant 0 : i32
    %dma_wait3A_90 = arith.constant 0 : i32
    %dma_wait3A_91 = tpu.memref_slice %arg4[%dma_wait3A_89, %dma_wait3A_90] : memref<1000000x128xf32, #tpu.memory_space<hbm>> -> memref<1000000x128xf32, #tpu.memory_space<hbm>>
    tpu.wait_indirect_dma semaphore(%arg10 : memref<!tpu.dma_semaphore, #tpu.memory_space<semaphore_mem>>) src(%dma_wait3A_91 : memref<1000000x128xf32, #tpu.memory_space<hbm>>) dst(%dma_wait3A_85 : memref<128x128xf32, #tpu.memory_space<vmem>>)
    %add3A_92 = arith.constant 128 : i32
    %add3A_93 = arith.addi %mul3A_2, %add3A_92 : i32
    %dma_start3A_94 = arith.constant 1 : i32
    %dma_start3A_95 = arith.constant 0 : i32
    %dma_start3A_96 = arith.constant 0 : i32
    %dma_start3A_97 = tpu.memref_slice %arg8[%dma_start3A_94, %dma_start3A_95, %dma_start3A_96] : memref<6x128x128xf32, #tpu.memory_space<vmem>> -> memref<1x128x128xf32, #tpu.memory_space<vmem>>
    %dma_start3A_98 = tpu.memref_squeeze %dma_start3A_97 : memref<1x128x128xf32, #tpu.memory_space<vmem>> -> memref<128x128xf32, #tpu.memory_space<vmem>>
    %dma_start3A_99 = arith.constant 0 : i32
    %dma_start3A_100 = tpu.memref_slice %arg5[%add3A_93, %dma_start3A_99] : memref<16384x128xf32, #tpu.memory_space<hbm>> -> memref<128x128xf32, #tpu.memory_space<hbm>>
    %dma_start3A_101 = arith.constant 0 : i32
    %dma_start3A_102 = tpu.memref_slice %arg5[%add3A_93, %dma_start3A_101] : memref<16384x128xf32, #tpu.memory_space<hbm>> -> memref<128x128xf32, #tpu.memory_space<hbm>>
    %dma_start3A_103 = arith.constant 0 : i32
    %dma_start3A_104 = arith.constant 0 : i32
    %dma_start3A_105 = tpu.memref_slice %arg8[%dma_start3A_94, %dma_start3A_103, %dma_start3A_104] : memref<6x128x128xf32, #tpu.memory_space<vmem>> -> memref<1x128x128xf32, #tpu.memory_space<vmem>>
    %dma_start3A_106 = tpu.memref_squeeze %dma_start3A_105 : memref<1x128x128xf32, #tpu.memory_space<vmem>> -> memref<128x128xf32, #tpu.memory_space<vmem>>
    tpu.enqueue_dma source(%dma_start3A_106 : memref<128x128xf32, #tpu.memory_space<vmem>>) target(%dma_start3A_102 : memref<128x128xf32, #tpu.memory_space<hbm>>) target_semaphore(%arg16 : memref<!tpu.dma_semaphore, #tpu.memory_space<semaphore_mem>>)
    %dma_start3A_107 = arith.constant 4 : i32
    %dma_start3A_108 = arith.constant 4 : i32
    %dma_start3A_109 = arith.constant 0 : i32
    %dma_start3A_110 = arith.constant 0 : i32
    %dma_start3A_111 = tpu.memref_slice %arg8[%dma_start3A_108, %dma_start3A_109, %dma_start3A_110] : memref<6x128x128xf32, #tpu.memory_space<vmem>> -> memref<1x128x128xf32, #tpu.memory_space<vmem>>
    %dma_start3A_112 = tpu.memref_squeeze %dma_start3A_111 : memref<1x128x128xf32, #tpu.memory_space<vmem>> -> memref<128x128xf32, #tpu.memory_space<vmem>>
    %dma_start3A_113 = arith.constant 0 : i32
    %dma_start3A_114 = tpu.memref_slice %arg7[%dma_start3A_107, %dma_start3A_113] : memref<8x128xi32, #tpu.memory_space<vmem>> -> memref<1x128xi32, #tpu.memory_space<vmem>>
    %dma_start3A_115 = tpu.memref_squeeze %dma_start3A_114 : memref<1x128xi32, #tpu.memory_space<vmem>> -> memref<128xi32, #tpu.memory_space<vmem>>
    %dma_start3A_116 = arith.constant 0 : i32
    %dma_start3A_117 = arith.constant 0 : i32
    %dma_start3A_118 = tpu.memref_slice %arg4[%dma_start3A_116, %dma_start3A_117] : memref<1000000x128xf32, #tpu.memory_space<hbm>> -> memref<1000000x128xf32, #tpu.memory_space<hbm>>
    tpu.enqueue_indirect_dma source(%dma_start3A_118 : memref<1000000x128xf32, #tpu.memory_space<hbm>>) target(%dma_start3A_112 : memref<128x128xf32, #tpu.memory_space<vmem>>) offsets(%dma_start3A_115 : memref<128xi32, #tpu.memory_space<vmem>>) semaphore(%arg13 : memref<!tpu.dma_semaphore, #tpu.memory_space<semaphore_mem>>)
    %dma_wait3A_119 = arith.constant 2 : i32
    %dma_wait3A_120 = arith.constant 2 : i32
    %dma_wait3A_121 = arith.constant 0 : i32
    %dma_wait3A_122 = arith.constant 0 : i32
    %dma_wait3A_123 = tpu.memref_slice %arg8[%dma_wait3A_120, %dma_wait3A_121, %dma_wait3A_122] : memref<6x128x128xf32, #tpu.memory_space<vmem>> -> memref<1x128x128xf32, #tpu.memory_space<vmem>>
    %dma_wait3A_124 = tpu.memref_squeeze %dma_wait3A_123 : memref<1x128x128xf32, #tpu.memory_space<vmem>> -> memref<128x128xf32, #tpu.memory_space<vmem>>
    %dma_wait3A_125 = arith.constant 0 : i32
    %dma_wait3A_126 = tpu.memref_slice %arg7[%dma_wait3A_119, %dma_wait3A_125] : memref<8x128xi32, #tpu.memory_space<vmem>> -> memref<1x128xi32, #tpu.memory_space<vmem>>
    %dma_wait3A_127 = tpu.memref_squeeze %dma_wait3A_126 : memref<1x128xi32, #tpu.memory_space<vmem>> -> memref<128xi32, #tpu.memory_space<vmem>>
    %dma_wait3A_128 = arith.constant 0 : i32
    %dma_wait3A_129 = arith.constant 0 : i32
    %dma_wait3A_130 = tpu.memref_slice %arg4[%dma_wait3A_128, %dma_wait3A_129] : memref<1000000x128xf32, #tpu.memory_space<hbm>> -> memref<1000000x128xf32, #tpu.memory_space<hbm>>
    tpu.wait_indirect_dma semaphore(%arg11 : memref<!tpu.dma_semaphore, #tpu.memory_space<semaphore_mem>>) src(%dma_wait3A_130 : memref<1000000x128xf32, #tpu.memory_space<hbm>>) dst(%dma_wait3A_124 : memref<128x128xf32, #tpu.memory_space<vmem>>)
    %add3A_131 = arith.constant 256 : i32
    %add3A_132 = arith.addi %mul3A_2, %add3A_131 : i32
    %dma_start3A_133 = arith.constant 2 : i32
    %dma_start3A_134 = arith.constant 0 : i32
    %dma_start3A_135 = arith.constant 0 : i32
    %dma_start3A_136 = tpu.memref_slice %arg8[%dma_start3A_133, %dma_start3A_134, %dma_start3A_135] : memref<6x128x128xf32, #tpu.memory_space<vmem>> -> memref<1x128x128xf32, #tpu.memory_space<vmem>>
    %dma_start3A_137 = tpu.memref_squeeze %dma_start3A_136 : memref<1x128x128xf32, #tpu.memory_space<vmem>> -> memref<128x128xf32, #tpu.memory_space<vmem>>
    %dma_start3A_138 = arith.constant 0 : i32
    %dma_start3A_139 = tpu.memref_slice %arg5[%add3A_132, %dma_start3A_138] : memref<16384x128xf32, #tpu.memory_space<hbm>> -> memref<128x128xf32, #tpu.memory_space<hbm>>
    %dma_start3A_140 = arith.constant 0 : i32
    %dma_start3A_141 = tpu.memref_slice %arg5[%add3A_132, %dma_start3A_140] : memref<16384x128xf32, #tpu.memory_space<hbm>> -> memref<128x128xf32, #tpu.memory_space<hbm>>
    %dma_start3A_142 = arith.constant 0 : i32
    %dma_start3A_143 = arith.constant 0 : i32
    %dma_start3A_144 = tpu.memref_slice %arg8[%dma_start3A_133, %dma_start3A_142, %dma_start3A_143] : memref<6x128x128xf32, #tpu.memory_space<vmem>> -> memref<1x128x128xf32, #tpu.memory_space<vmem>>
    %dma_start3A_145 = tpu.memref_squeeze %dma_start3A_144 : memref<1x128x128xf32, #tpu.memory_space<vmem>> -> memref<128x128xf32, #tpu.memory_space<vmem>>
    tpu.enqueue_dma source(%dma_start3A_145 : memref<128x128xf32, #tpu.memory_space<vmem>>) target(%dma_start3A_141 : memref<128x128xf32, #tpu.memory_space<hbm>>) target_semaphore(%arg17 : memref<!tpu.dma_semaphore, #tpu.memory_space<semaphore_mem>>)
    %dma_start3A_146 = arith.constant 5 : i32
    %dma_start3A_147 = arith.constant 5 : i32
    %dma_start3A_148 = arith.constant 0 : i32
    %dma_start3A_149 = arith.constant 0 : i32
    %dma_start3A_150 = tpu.memref_slice %arg8[%dma_start3A_147, %dma_start3A_148, %dma_start3A_149] : memref<6x128x128xf32, #tpu.memory_space<vmem>> -> memref<1x128x128xf32, #tpu.memory_space<vmem>>
    %dma_start3A_151 = tpu.memref_squeeze %dma_start3A_150 : memref<1x128x128xf32, #tpu.memory_space<vmem>> -> memref<128x128xf32, #tpu.memory_space<vmem>>
    %dma_start3A_152 = arith.constant 0 : i32
    %dma_start3A_153 = tpu.memref_slice %arg7[%dma_start3A_146, %dma_start3A_152] : memref<8x128xi32, #tpu.memory_space<vmem>> -> memref<1x128xi32, #tpu.memory_space<vmem>>
    %dma_start3A_154 = tpu.memref_squeeze %dma_start3A_153 : memref<1x128xi32, #tpu.memory_space<vmem>> -> memref<128xi32, #tpu.memory_space<vmem>>
    %dma_start3A_155 = arith.constant 0 : i32
    %dma_start3A_156 = arith.constant 0 : i32
    %dma_start3A_157 = tpu.memref_slice %arg4[%dma_start3A_155, %dma_start3A_156] : memref<1000000x128xf32, #tpu.memory_space<hbm>> -> memref<1000000x128xf32, #tpu.memory_space<hbm>>
    tpu.enqueue_indirect_dma source(%dma_start3A_157 : memref<1000000x128xf32, #tpu.memory_space<hbm>>) target(%dma_start3A_151 : memref<128x128xf32, #tpu.memory_space<vmem>>) offsets(%dma_start3A_154 : memref<128xi32, #tpu.memory_space<vmem>>) semaphore(%arg14 : memref<!tpu.dma_semaphore, #tpu.memory_space<semaphore_mem>>)
    %dma_wait3A_158 = arith.constant 3 : i32
    %dma_wait3A_159 = arith.constant 3 : i32
    %dma_wait3A_160 = arith.constant 0 : i32
    %dma_wait3A_161 = arith.constant 0 : i32
    %dma_wait3A_162 = tpu.memref_slice %arg8[%dma_wait3A_159, %dma_wait3A_160, %dma_wait3A_161] : memref<6x128x128xf32, #tpu.memory_space<vmem>> -> memref<1x128x128xf32, #tpu.memory_space<vmem>>
    %dma_wait3A_163 = tpu.memref_squeeze %dma_wait3A_162 : memref<1x128x128xf32, #tpu.memory_space<vmem>> -> memref<128x128xf32, #tpu.memory_space<vmem>>
    %dma_wait3A_164 = arith.constant 0 : i32
    %dma_wait3A_165 = tpu.memref_slice %arg7[%dma_wait3A_158, %dma_wait3A_164] : memref<8x128xi32, #tpu.memory_space<vmem>> -> memref<1x128xi32, #tpu.memory_space<vmem>>
    %dma_wait3A_166 = tpu.memref_squeeze %dma_wait3A_165 : memref<1x128xi32, #tpu.memory_space<vmem>> -> memref<128xi32, #tpu.memory_space<vmem>>
    %dma_wait3A_167 = arith.constant 0 : i32
    %dma_wait3A_168 = arith.constant 0 : i32
    %dma_wait3A_169 = tpu.memref_slice %arg4[%dma_wait3A_167, %dma_wait3A_168] : memref<1000000x128xf32, #tpu.memory_space<hbm>> -> memref<1000000x128xf32, #tpu.memory_space<hbm>>
    tpu.wait_indirect_dma semaphore(%arg12 : memref<!tpu.dma_semaphore, #tpu.memory_space<semaphore_mem>>) src(%dma_wait3A_169 : memref<1000000x128xf32, #tpu.memory_space<hbm>>) dst(%dma_wait3A_163 : memref<128x128xf32, #tpu.memory_space<vmem>>)
    %add3A_170 = arith.constant 384 : i32
    %add3A_171 = arith.addi %mul3A_2, %add3A_170 : i32
    %dma_start3A_172 = arith.constant 3 : i32
    %dma_start3A_173 = arith.constant 0 : i32
    %dma_start3A_174 = arith.constant 0 : i32
    %dma_start3A_175 = tpu.memref_slice %arg8[%dma_start3A_172, %dma_start3A_173, %dma_start3A_174] : memref<6x128x128xf32, #tpu.memory_space<vmem>> -> memref<1x128x128xf32, #tpu.memory_space<vmem>>
    %dma_start3A_176 = tpu.memref_squeeze %dma_start3A_175 : memref<1x128x128xf32, #tpu.memory_space<vmem>> -> memref<128x128xf32, #tpu.memory_space<vmem>>
    %dma_start3A_177 = arith.constant 0 : i32
    %dma_start3A_178 = tpu.memref_slice %arg5[%add3A_171, %dma_start3A_177] : memref<16384x128xf32, #tpu.memory_space<hbm>> -> memref<128x128xf32, #tpu.memory_space<hbm>>
    %dma_start3A_179 = arith.constant 0 : i32
    %dma_start3A_180 = tpu.memref_slice %arg5[%add3A_171, %dma_start3A_179] : memref<16384x128xf32, #tpu.memory_space<hbm>> -> memref<128x128xf32, #tpu.memory_space<hbm>>
    %dma_start3A_181 = arith.constant 0 : i32
    %dma_start3A_182 = arith.constant 0 : i32
    %dma_start3A_183 = tpu.memref_slice %arg8[%dma_start3A_172, %dma_start3A_181, %dma_start3A_182] : memref<6x128x128xf32, #tpu.memory_space<vmem>> -> memref<1x128x128xf32, #tpu.memory_space<vmem>>
    %dma_start3A_184 = tpu.memref_squeeze %dma_start3A_183 : memref<1x128x128xf32, #tpu.memory_space<vmem>> -> memref<128x128xf32, #tpu.memory_space<vmem>>
    tpu.enqueue_dma source(%dma_start3A_184 : memref<128x128xf32, #tpu.memory_space<vmem>>) target(%dma_start3A_180 : memref<128x128xf32, #tpu.memory_space<hbm>>) target_semaphore(%arg18 : memref<!tpu.dma_semaphore, #tpu.memory_space<semaphore_mem>>)
    %dma_wait3A_185 = arith.constant 0 : i32
    %dma_wait3A_186 = arith.constant 0 : i32
    %dma_wait3A_187 = arith.constant 0 : i32
    %dma_wait3A_188 = tpu.memref_slice %arg8[%dma_wait3A_185, %dma_wait3A_186, %dma_wait3A_187] : memref<6x128x128xf32, #tpu.memory_space<vmem>> -> memref<1x128x128xf32, #tpu.memory_space<vmem>>
    %dma_wait3A_189 = tpu.memref_squeeze %dma_wait3A_188 : memref<1x128x128xf32, #tpu.memory_space<vmem>> -> memref<128x128xf32, #tpu.memory_space<vmem>>
    %dma_wait3A_190 = arith.constant 0 : i32
    %dma_wait3A_191 = tpu.memref_slice %arg5[%add3A_54, %dma_wait3A_190] : memref<16384x128xf32, #tpu.memory_space<hbm>> -> memref<128x128xf32, #tpu.memory_space<hbm>>
    %dma_wait3A_192 = arith.constant 0 : i32
    %dma_wait3A_193 = tpu.memref_slice %arg5[%add3A_54, %dma_wait3A_192] : memref<16384x128xf32, #tpu.memory_space<hbm>> -> memref<128x128xf32, #tpu.memory_space<hbm>>
    %dma_wait3A_194 = arith.constant 0 : i32
    %dma_wait3A_195 = arith.constant 0 : i32
    %dma_wait3A_196 = tpu.memref_slice %arg8[%dma_wait3A_185, %dma_wait3A_194, %dma_wait3A_195] : memref<6x128x128xf32, #tpu.memory_space<vmem>> -> memref<1x128x128xf32, #tpu.memory_space<vmem>>
    %dma_wait3A_197 = tpu.memref_squeeze %dma_wait3A_196 : memref<1x128x128xf32, #tpu.memory_space<vmem>> -> memref<128x128xf32, #tpu.memory_space<vmem>>
    tpu.wait_dma2 semaphore(%arg15 : memref<!tpu.dma_semaphore, #tpu.memory_space<semaphore_mem>>) src(%dma_wait3A_197 : memref<128x128xf32, #tpu.memory_space<vmem>>) dst(%dma_wait3A_193 : memref<128x128xf32, #tpu.memory_space<hbm>>)
    %dma_start3A_198 = arith.constant 6 : i32
    %dma_start3A_199 = arith.constant 0 : i32
    %dma_start3A_200 = arith.constant 0 : i32
    %dma_start3A_201 = arith.constant 0 : i32
    %dma_start3A_202 = tpu.memref_slice %arg8[%dma_start3A_199, %dma_start3A_200, %dma_start3A_201] : memref<6x128x128xf32, #tpu.memory_space<vmem>> -> memref<1x128x128xf32, #tpu.memory_space<vmem>>
    %dma_start3A_203 = tpu.memref_squeeze %dma_start3A_202 : memref<1x128x128xf32, #tpu.memory_space<vmem>> -> memref<128x128xf32, #tpu.memory_space<vmem>>
    %dma_start3A_204 = arith.constant 0 : i32
    %dma_start3A_205 = tpu.memref_slice %arg7[%dma_start3A_198, %dma_start3A_204] : memref<8x128xi32, #tpu.memory_space<vmem>> -> memref<1x128xi32, #tpu.memory_space<vmem>>
    %dma_start3A_206 = tpu.memref_squeeze %dma_start3A_205 : memref<1x128xi32, #tpu.memory_space<vmem>> -> memref<128xi32, #tpu.memory_space<vmem>>
    %dma_start3A_207 = arith.constant 0 : i32
    %dma_start3A_208 = arith.constant 0 : i32
    %dma_start3A_209 = tpu.memref_slice %arg4[%dma_start3A_207, %dma_start3A_208] : memref<1000000x128xf32, #tpu.memory_space<hbm>> -> memref<1000000x128xf32, #tpu.memory_space<hbm>>
    tpu.enqueue_indirect_dma source(%dma_start3A_209 : memref<1000000x128xf32, #tpu.memory_space<hbm>>) target(%dma_start3A_203 : memref<128x128xf32, #tpu.memory_space<vmem>>) offsets(%dma_start3A_206 : memref<128xi32, #tpu.memory_space<vmem>>) semaphore(%arg9 : memref<!tpu.dma_semaphore, #tpu.memory_space<semaphore_mem>>)
    %dma_wait3A_210 = arith.constant 4 : i32
    %dma_wait3A_211 = arith.constant 4 : i32
    %dma_wait3A_212 = arith.constant 0 : i32
    %dma_wait3A_213 = arith.constant 0 : i32
    %dma_wait3A_214 = tpu.memref_slice %arg8[%dma_wait3A_211, %dma_wait3A_212, %dma_wait3A_213] : memref<6x128x128xf32, #tpu.memory_space<vmem>> -> memref<1x128x128xf32, #tpu.memory_space<vmem>>
    %dma_wait3A_215 = tpu.memref_squeeze %dma_wait3A_214 : memref<1x128x128xf32, #tpu.memory_space<vmem>> -> memref<128x128xf32, #tpu.memory_space<vmem>>
    %dma_wait3A_216 = arith.constant 0 : i32
    %dma_wait3A_217 = tpu.memref_slice %arg7[%dma_wait3A_210, %dma_wait3A_216] : memref<8x128xi32, #tpu.memory_space<vmem>> -> memref<1x128xi32, #tpu.memory_space<vmem>>
    %dma_wait3A_218 = tpu.memref_squeeze %dma_wait3A_217 : memref<1x128xi32, #tpu.memory_space<vmem>> -> memref<128xi32, #tpu.memory_space<vmem>>
    %dma_wait3A_219 = arith.constant 0 : i32
    %dma_wait3A_220 = arith.constant 0 : i32
    %dma_wait3A_221 = tpu.memref_slice %arg4[%dma_wait3A_219, %dma_wait3A_220] : memref<1000000x128xf32, #tpu.memory_space<hbm>> -> memref<1000000x128xf32, #tpu.memory_space<hbm>>
    tpu.wait_indirect_dma semaphore(%arg13 : memref<!tpu.dma_semaphore, #tpu.memory_space<semaphore_mem>>) src(%dma_wait3A_221 : memref<1000000x128xf32, #tpu.memory_space<hbm>>) dst(%dma_wait3A_215 : memref<128x128xf32, #tpu.memory_space<vmem>>)
    %add3A_222 = arith.constant 0 : i32
    %add3A_223 = arith.addi %mul3A_2, %add3A_222 : i32
    %dma_start3A_224 = arith.constant 4 : i32
    %dma_start3A_225 = arith.constant 0 : i32
    %dma_start3A_226 = arith.constant 0 : i32
    %dma_start3A_227 = tpu.memref_slice %arg8[%dma_start3A_224, %dma_start3A_225, %dma_start3A_226] : memref<6x128x128xf32, #tpu.memory_space<vmem>> -> memref<1x128x128xf32, #tpu.memory_space<vmem>>
    %dma_start3A_228 = tpu.memref_squeeze %dma_start3A_227 : memref<1x128x128xf32, #tpu.memory_space<vmem>> -> memref<128x128xf32, #tpu.memory_space<vmem>>
    %dma_start3A_229 = arith.constant 0 : i32
    %dma_start3A_230 = tpu.memref_slice %arg6[%add3A_223, %dma_start3A_229] : memref<16384x128xf32, #tpu.memory_space<hbm>> -> memref<128x128xf32, #tpu.memory_space<hbm>>
    %dma_start3A_231 = arith.constant 0 : i32
    %dma_start3A_232 = tpu.memref_slice %arg6[%add3A_223, %dma_start3A_231] : memref<16384x128xf32, #tpu.memory_space<hbm>> -> memref<128x128xf32, #tpu.memory_space<hbm>>
    %dma_start3A_233 = arith.constant 0 : i32
    %dma_start3A_234 = arith.constant 0 : i32
    %dma_start3A_235 = tpu.memref_slice %arg8[%dma_start3A_224, %dma_start3A_233, %dma_start3A_234] : memref<6x128x128xf32, #tpu.memory_space<vmem>> -> memref<1x128x128xf32, #tpu.memory_space<vmem>>
    %dma_start3A_236 = tpu.memref_squeeze %dma_start3A_235 : memref<1x128x128xf32, #tpu.memory_space<vmem>> -> memref<128x128xf32, #tpu.memory_space<vmem>>
    tpu.enqueue_dma source(%dma_start3A_236 : memref<128x128xf32, #tpu.memory_space<vmem>>) target(%dma_start3A_232 : memref<128x128xf32, #tpu.memory_space<hbm>>) target_semaphore(%arg19 : memref<!tpu.dma_semaphore, #tpu.memory_space<semaphore_mem>>)
    %dma_wait3A_237 = arith.constant 1 : i32
    %dma_wait3A_238 = arith.constant 0 : i32
    %dma_wait3A_239 = arith.constant 0 : i32
    %dma_wait3A_240 = tpu.memref_slice %arg8[%dma_wait3A_237, %dma_wait3A_238, %dma_wait3A_239] : memref<6x128x128xf32, #tpu.memory_space<vmem>> -> memref<1x128x128xf32, #tpu.memory_space<vmem>>
    %dma_wait3A_241 = tpu.memref_squeeze %dma_wait3A_240 : memref<1x128x128xf32, #tpu.memory_space<vmem>> -> memref<128x128xf32, #tpu.memory_space<vmem>>
    %dma_wait3A_242 = arith.constant 0 : i32
    %dma_wait3A_243 = tpu.memref_slice %arg5[%add3A_93, %dma_wait3A_242] : memref<16384x128xf32, #tpu.memory_space<hbm>> -> memref<128x128xf32, #tpu.memory_space<hbm>>
    %dma_wait3A_244 = arith.constant 0 : i32
    %dma_wait3A_245 = tpu.memref_slice %arg5[%add3A_93, %dma_wait3A_244] : memref<16384x128xf32, #tpu.memory_space<hbm>> -> memref<128x128xf32, #tpu.memory_space<hbm>>
    %dma_wait3A_246 = arith.constant 0 : i32
    %dma_wait3A_247 = arith.constant 0 : i32
    %dma_wait3A_248 = tpu.memref_slice %arg8[%dma_wait3A_237, %dma_wait3A_246, %dma_wait3A_247] : memref<6x128x128xf32, #tpu.memory_space<vmem>> -> memref<1x128x128xf32, #tpu.memory_space<vmem>>
    %dma_wait3A_249 = tpu.memref_squeeze %dma_wait3A_248 : memref<1x128x128xf32, #tpu.memory_space<vmem>> -> memref<128x128xf32, #tpu.memory_space<vmem>>
    tpu.wait_dma2 semaphore(%arg16 : memref<!tpu.dma_semaphore, #tpu.memory_space<semaphore_mem>>) src(%dma_wait3A_249 : memref<128x128xf32, #tpu.memory_space<vmem>>) dst(%dma_wait3A_245 : memref<128x128xf32, #tpu.memory_space<hbm>>)
    %dma_start3A_250 = arith.constant 7 : i32
    %dma_start3A_251 = arith.constant 1 : i32
    %dma_start3A_252 = arith.constant 0 : i32
    %dma_start3A_253 = arith.constant 0 : i32
    %dma_start3A_254 = tpu.memref_slice %arg8[%dma_start3A_251, %dma_start3A_252, %dma_start3A_253] : memref<6x128x128xf32, #tpu.memory_space<vmem>> -> memref<1x128x128xf32, #tpu.memory_space<vmem>>
    %dma_start3A_255 = tpu.memref_squeeze %dma_start3A_254 : memref<1x128x128xf32, #tpu.memory_space<vmem>> -> memref<128x128xf32, #tpu.memory_space<vmem>>
    %dma_start3A_256 = arith.constant 0 : i32
    %dma_start3A_257 = tpu.memref_slice %arg7[%dma_start3A_250, %dma_start3A_256] : memref<8x128xi32, #tpu.memory_space<vmem>> -> memref<1x128xi32, #tpu.memory_space<vmem>>
    %dma_start3A_258 = tpu.memref_squeeze %dma_start3A_257 : memref<1x128xi32, #tpu.memory_space<vmem>> -> memref<128xi32, #tpu.memory_space<vmem>>
    %dma_start3A_259 = arith.constant 0 : i32
    %dma_start3A_260 = arith.constant 0 : i32
    %dma_start3A_261 = tpu.memref_slice %arg4[%dma_start3A_259, %dma_start3A_260] : memref<1000000x128xf32, #tpu.memory_space<hbm>> -> memref<1000000x128xf32, #tpu.memory_space<hbm>>
    tpu.enqueue_indirect_dma source(%dma_start3A_261 : memref<1000000x128xf32, #tpu.memory_space<hbm>>) target(%dma_start3A_255 : memref<128x128xf32, #tpu.memory_space<vmem>>) offsets(%dma_start3A_258 : memref<128xi32, #tpu.memory_space<vmem>>) semaphore(%arg10 : memref<!tpu.dma_semaphore, #tpu.memory_space<semaphore_mem>>)
    %dma_wait3A_262 = arith.constant 5 : i32
    %dma_wait3A_263 = arith.constant 5 : i32
    %dma_wait3A_264 = arith.constant 0 : i32
    %dma_wait3A_265 = arith.constant 0 : i32
    %dma_wait3A_266 = tpu.memref_slice %arg8[%dma_wait3A_263, %dma_wait3A_264, %dma_wait3A_265] : memref<6x128x128xf32, #tpu.memory_space<vmem>> -> memref<1x128x128xf32, #tpu.memory_space<vmem>>
    %dma_wait3A_267 = tpu.memref_squeeze %dma_wait3A_266 : memref<1x128x128xf32, #tpu.memory_space<vmem>> -> memref<128x128xf32, #tpu.memory_space<vmem>>
    %dma_wait3A_268 = arith.constant 0 : i32
    %dma_wait3A_269 = tpu.memref_slice %arg7[%dma_wait3A_262, %dma_wait3A_268] : memref<8x128xi32, #tpu.memory_space<vmem>> -> memref<1x128xi32, #tpu.memory_space<vmem>>
    %dma_wait3A_270 = tpu.memref_squeeze %dma_wait3A_269 : memref<1x128xi32, #tpu.memory_space<vmem>> -> memref<128xi32, #tpu.memory_space<vmem>>
    %dma_wait3A_271 = arith.constant 0 : i32
    %dma_wait3A_272 = arith.constant 0 : i32
    %dma_wait3A_273 = tpu.memref_slice %arg4[%dma_wait3A_271, %dma_wait3A_272] : memref<1000000x128xf32, #tpu.memory_space<hbm>> -> memref<1000000x128xf32, #tpu.memory_space<hbm>>
    tpu.wait_indirect_dma semaphore(%arg14 : memref<!tpu.dma_semaphore, #tpu.memory_space<semaphore_mem>>) src(%dma_wait3A_273 : memref<1000000x128xf32, #tpu.memory_space<hbm>>) dst(%dma_wait3A_267 : memref<128x128xf32, #tpu.memory_space<vmem>>)
    %add3A_274 = arith.constant 128 : i32
    %add3A_275 = arith.addi %mul3A_2, %add3A_274 : i32
    %dma_start3A_276 = arith.constant 5 : i32
    %dma_start3A_277 = arith.constant 0 : i32
    %dma_start3A_278 = arith.constant 0 : i32
    %dma_start3A_279 = tpu.memref_slice %arg8[%dma_start3A_276, %dma_start3A_277, %dma_start3A_278] : memref<6x128x128xf32, #tpu.memory_space<vmem>> -> memref<1x128x128xf32, #tpu.memory_space<vmem>>
    %dma_start3A_280 = tpu.memref_squeeze %dma_start3A_279 : memref<1x128x128xf32, #tpu.memory_space<vmem>> -> memref<128x128xf32, #tpu.memory_space<vmem>>
    %dma_start3A_281 = arith.constant 0 : i32
    %dma_start3A_282 = tpu.memref_slice %arg6[%add3A_275, %dma_start3A_281] : memref<16384x128xf32, #tpu.memory_space<hbm>> -> memref<128x128xf32, #tpu.memory_space<hbm>>
    %dma_start3A_283 = arith.constant 0 : i32
    %dma_start3A_284 = tpu.memref_slice %arg6[%add3A_275, %dma_start3A_283] : memref<16384x128xf32, #tpu.memory_space<hbm>> -> memref<128x128xf32, #tpu.memory_space<hbm>>
    %dma_start3A_285 = arith.constant 0 : i32
    %dma_start3A_286 = arith.constant 0 : i32
    %dma_start3A_287 = tpu.memref_slice %arg8[%dma_start3A_276, %dma_start3A_285, %dma_start3A_286] : memref<6x128x128xf32, #tpu.memory_space<vmem>> -> memref<1x128x128xf32, #tpu.memory_space<vmem>>
    %dma_start3A_288 = tpu.memref_squeeze %dma_start3A_287 : memref<1x128x128xf32, #tpu.memory_space<vmem>> -> memref<128x128xf32, #tpu.memory_space<vmem>>
    tpu.enqueue_dma source(%dma_start3A_288 : memref<128x128xf32, #tpu.memory_space<vmem>>) target(%dma_start3A_284 : memref<128x128xf32, #tpu.memory_space<hbm>>) target_semaphore(%arg20 : memref<!tpu.dma_semaphore, #tpu.memory_space<semaphore_mem>>)
    %dma_wait3A_289 = arith.constant 6 : i32
    %dma_wait3A_290 = arith.constant 0 : i32
    %dma_wait3A_291 = arith.constant 0 : i32
    %dma_wait3A_292 = arith.constant 0 : i32
    %dma_wait3A_293 = tpu.memref_slice %arg8[%dma_wait3A_290, %dma_wait3A_291, %dma_wait3A_292] : memref<6x128x128xf32, #tpu.memory_space<vmem>> -> memref<1x128x128xf32, #tpu.memory_space<vmem>>
    %dma_wait3A_294 = tpu.memref_squeeze %dma_wait3A_293 : memref<1x128x128xf32, #tpu.memory_space<vmem>> -> memref<128x128xf32, #tpu.memory_space<vmem>>
    %dma_wait3A_295 = arith.constant 0 : i32
    %dma_wait3A_296 = tpu.memref_slice %arg7[%dma_wait3A_289, %dma_wait3A_295] : memref<8x128xi32, #tpu.memory_space<vmem>> -> memref<1x128xi32, #tpu.memory_space<vmem>>
    %dma_wait3A_297 = tpu.memref_squeeze %dma_wait3A_296 : memref<1x128xi32, #tpu.memory_space<vmem>> -> memref<128xi32, #tpu.memory_space<vmem>>
    %dma_wait3A_298 = arith.constant 0 : i32
    %dma_wait3A_299 = arith.constant 0 : i32
    %dma_wait3A_300 = tpu.memref_slice %arg4[%dma_wait3A_298, %dma_wait3A_299] : memref<1000000x128xf32, #tpu.memory_space<hbm>> -> memref<1000000x128xf32, #tpu.memory_space<hbm>>
    tpu.wait_indirect_dma semaphore(%arg9 : memref<!tpu.dma_semaphore, #tpu.memory_space<semaphore_mem>>) src(%dma_wait3A_300 : memref<1000000x128xf32, #tpu.memory_space<hbm>>) dst(%dma_wait3A_294 : memref<128x128xf32, #tpu.memory_space<vmem>>)
    %add3A_301 = arith.constant 256 : i32
    %add3A_302 = arith.addi %mul3A_2, %add3A_301 : i32
    %dma_start3A_303 = arith.constant 0 : i32
    %dma_start3A_304 = arith.constant 0 : i32
    %dma_start3A_305 = arith.constant 0 : i32
    %dma_start3A_306 = tpu.memref_slice %arg8[%dma_start3A_303, %dma_start3A_304, %dma_start3A_305] : memref<6x128x128xf32, #tpu.memory_space<vmem>> -> memref<1x128x128xf32, #tpu.memory_space<vmem>>
    %dma_start3A_307 = tpu.memref_squeeze %dma_start3A_306 : memref<1x128x128xf32, #tpu.memory_space<vmem>> -> memref<128x128xf32, #tpu.memory_space<vmem>>
    %dma_start3A_308 = arith.constant 0 : i32
    %dma_start3A_309 = tpu.memref_slice %arg6[%add3A_302, %dma_start3A_308] : memref<16384x128xf32, #tpu.memory_space<hbm>> -> memref<128x128xf32, #tpu.memory_space<hbm>>
    %dma_start3A_310 = arith.constant 0 : i32
    %dma_start3A_311 = tpu.memref_slice %arg6[%add3A_302, %dma_start3A_310] : memref<16384x128xf32, #tpu.memory_space<hbm>> -> memref<128x128xf32, #tpu.memory_space<hbm>>
    %dma_start3A_312 = arith.constant 0 : i32
    %dma_start3A_313 = arith.constant 0 : i32
    %dma_start3A_314 = tpu.memref_slice %arg8[%dma_start3A_303, %dma_start3A_312, %dma_start3A_313] : memref<6x128x128xf32, #tpu.memory_space<vmem>> -> memref<1x128x128xf32, #tpu.memory_space<vmem>>
    %dma_start3A_315 = tpu.memref_squeeze %dma_start3A_314 : memref<1x128x128xf32, #tpu.memory_space<vmem>> -> memref<128x128xf32, #tpu.memory_space<vmem>>
    tpu.enqueue_dma source(%dma_start3A_315 : memref<128x128xf32, #tpu.memory_space<vmem>>) target(%dma_start3A_311 : memref<128x128xf32, #tpu.memory_space<hbm>>) target_semaphore(%arg15 : memref<!tpu.dma_semaphore, #tpu.memory_space<semaphore_mem>>)
    %dma_wait3A_316 = arith.constant 7 : i32
    %dma_wait3A_317 = arith.constant 1 : i32
    %dma_wait3A_318 = arith.constant 0 : i32
    %dma_wait3A_319 = arith.constant 0 : i32
    %dma_wait3A_320 = tpu.memref_slice %arg8[%dma_wait3A_317, %dma_wait3A_318, %dma_wait3A_319] : memref<6x128x128xf32, #tpu.memory_space<vmem>> -> memref<1x128x128xf32, #tpu.memory_space<vmem>>
    %dma_wait3A_321 = tpu.memref_squeeze %dma_wait3A_320 : memref<1x128x128xf32, #tpu.memory_space<vmem>> -> memref<128x128xf32, #tpu.memory_space<vmem>>
    %dma_wait3A_322 = arith.constant 0 : i32
    %dma_wait3A_323 = tpu.memref_slice %arg7[%dma_wait3A_316, %dma_wait3A_322] : memref<8x128xi32, #tpu.memory_space<vmem>> -> memref<1x128xi32, #tpu.memory_space<vmem>>
    %dma_wait3A_324 = tpu.memref_squeeze %dma_wait3A_323 : memref<1x128xi32, #tpu.memory_space<vmem>> -> memref<128xi32, #tpu.memory_space<vmem>>
    %dma_wait3A_325 = arith.constant 0 : i32
    %dma_wait3A_326 = arith.constant 0 : i32
    %dma_wait3A_327 = tpu.memref_slice %arg4[%dma_wait3A_325, %dma_wait3A_326] : memref<1000000x128xf32, #tpu.memory_space<hbm>> -> memref<1000000x128xf32, #tpu.memory_space<hbm>>
    tpu.wait_indirect_dma semaphore(%arg10 : memref<!tpu.dma_semaphore, #tpu.memory_space<semaphore_mem>>) src(%dma_wait3A_327 : memref<1000000x128xf32, #tpu.memory_space<hbm>>) dst(%dma_wait3A_321 : memref<128x128xf32, #tpu.memory_space<vmem>>)
    %add3A_328 = arith.constant 384 : i32
    %add3A_329 = arith.addi %mul3A_2, %add3A_328 : i32
    %dma_start3A_330 = arith.constant 1 : i32
    %dma_start3A_331 = arith.constant 0 : i32
    %dma_start3A_332 = arith.constant 0 : i32
    %dma_start3A_333 = tpu.memref_slice %arg8[%dma_start3A_330, %dma_start3A_331, %dma_start3A_332] : memref<6x128x128xf32, #tpu.memory_space<vmem>> -> memref<1x128x128xf32, #tpu.memory_space<vmem>>
    %dma_start3A_334 = tpu.memref_squeeze %dma_start3A_333 : memref<1x128x128xf32, #tpu.memory_space<vmem>> -> memref<128x128xf32, #tpu.memory_space<vmem>>
    %dma_start3A_335 = arith.constant 0 : i32
    %dma_start3A_336 = tpu.memref_slice %arg6[%add3A_329, %dma_start3A_335] : memref<16384x128xf32, #tpu.memory_space<hbm>> -> memref<128x128xf32, #tpu.memory_space<hbm>>
    %dma_start3A_337 = arith.constant 0 : i32
    %dma_start3A_338 = tpu.memref_slice %arg6[%add3A_329, %dma_start3A_337] : memref<16384x128xf32, #tpu.memory_space<hbm>> -> memref<128x128xf32, #tpu.memory_space<hbm>>
    %dma_start3A_339 = arith.constant 0 : i32
    %dma_start3A_340 = arith.constant 0 : i32
    %dma_start3A_341 = tpu.memref_slice %arg8[%dma_start3A_330, %dma_start3A_339, %dma_start3A_340] : memref<6x128x128xf32, #tpu.memory_space<vmem>> -> memref<1x128x128xf32, #tpu.memory_space<vmem>>
    %dma_start3A_342 = tpu.memref_squeeze %dma_start3A_341 : memref<1x128x128xf32, #tpu.memory_space<vmem>> -> memref<128x128xf32, #tpu.memory_space<vmem>>
    tpu.enqueue_dma source(%dma_start3A_342 : memref<128x128xf32, #tpu.memory_space<vmem>>) target(%dma_start3A_338 : memref<128x128xf32, #tpu.memory_space<hbm>>) target_semaphore(%arg16 : memref<!tpu.dma_semaphore, #tpu.memory_space<semaphore_mem>>)
    %dma_wait3A_343 = arith.constant 0 : i32
    %dma_wait3A_344 = arith.constant 0 : i32
    %dma_wait3A_345 = arith.constant 0 : i32
    %dma_wait3A_346 = tpu.memref_slice %arg8[%dma_wait3A_343, %dma_wait3A_344, %dma_wait3A_345] : memref<6x128x128xf32, #tpu.memory_space<vmem>> -> memref<1x128x128xf32, #tpu.memory_space<vmem>>
    %dma_wait3A_347 = tpu.memref_squeeze %dma_wait3A_346 : memref<1x128x128xf32, #tpu.memory_space<vmem>> -> memref<128x128xf32, #tpu.memory_space<vmem>>
    %dma_wait3A_348 = arith.constant 0 : i32
    %dma_wait3A_349 = tpu.memref_slice %arg6[%add3A_302, %dma_wait3A_348] : memref<16384x128xf32, #tpu.memory_space<hbm>> -> memref<128x128xf32, #tpu.memory_space<hbm>>
    %dma_wait3A_350 = arith.constant 0 : i32
    %dma_wait3A_351 = tpu.memref_slice %arg6[%add3A_302, %dma_wait3A_350] : memref<16384x128xf32, #tpu.memory_space<hbm>> -> memref<128x128xf32, #tpu.memory_space<hbm>>
    %dma_wait3A_352 = arith.constant 0 : i32
    %dma_wait3A_353 = arith.constant 0 : i32
    %dma_wait3A_354 = tpu.memref_slice %arg8[%dma_wait3A_343, %dma_wait3A_352, %dma_wait3A_353] : memref<6x128x128xf32, #tpu.memory_space<vmem>> -> memref<1x128x128xf32, #tpu.memory_space<vmem>>
    %dma_wait3A_355 = tpu.memref_squeeze %dma_wait3A_354 : memref<1x128x128xf32, #tpu.memory_space<vmem>> -> memref<128x128xf32, #tpu.memory_space<vmem>>
    tpu.wait_dma2 semaphore(%arg15 : memref<!tpu.dma_semaphore, #tpu.memory_space<semaphore_mem>>) src(%dma_wait3A_355 : memref<128x128xf32, #tpu.memory_space<vmem>>) dst(%dma_wait3A_351 : memref<128x128xf32, #tpu.memory_space<hbm>>)
    %dma_wait3A_356 = arith.constant 1 : i32
    %dma_wait3A_357 = arith.constant 0 : i32
    %dma_wait3A_358 = arith.constant 0 : i32
    %dma_wait3A_359 = tpu.memref_slice %arg8[%dma_wait3A_356, %dma_wait3A_357, %dma_wait3A_358] : memref<6x128x128xf32, #tpu.memory_space<vmem>> -> memref<1x128x128xf32, #tpu.memory_space<vmem>>
    %dma_wait3A_360 = tpu.memref_squeeze %dma_wait3A_359 : memref<1x128x128xf32, #tpu.memory_space<vmem>> -> memref<128x128xf32, #tpu.memory_space<vmem>>
    %dma_wait3A_361 = arith.constant 0 : i32
    %dma_wait3A_362 = tpu.memref_slice %arg6[%add3A_329, %dma_wait3A_361] : memref<16384x128xf32, #tpu.memory_space<hbm>> -> memref<128x128xf32, #tpu.memory_space<hbm>>
    %dma_wait3A_363 = arith.constant 0 : i32
    %dma_wait3A_364 = tpu.memref_slice %arg6[%add3A_329, %dma_wait3A_363] : memref<16384x128xf32, #tpu.memory_space<hbm>> -> memref<128x128xf32, #tpu.memory_space<hbm>>
    %dma_wait3A_365 = arith.constant 0 : i32
    %dma_wait3A_366 = arith.constant 0 : i32
    %dma_wait3A_367 = tpu.memref_slice %arg8[%dma_wait3A_356, %dma_wait3A_365, %dma_wait3A_366] : memref<6x128x128xf32, #tpu.memory_space<vmem>> -> memref<1x128x128xf32, #tpu.memory_space<vmem>>
    %dma_wait3A_368 = tpu.memref_squeeze %dma_wait3A_367 : memref<1x128x128xf32, #tpu.memory_space<vmem>> -> memref<128x128xf32, #tpu.memory_space<vmem>>
    tpu.wait_dma2 semaphore(%arg16 : memref<!tpu.dma_semaphore, #tpu.memory_space<semaphore_mem>>) src(%dma_wait3A_368 : memref<128x128xf32, #tpu.memory_space<vmem>>) dst(%dma_wait3A_364 : memref<128x128xf32, #tpu.memory_space<hbm>>)
    %dma_wait3A_369 = arith.constant 2 : i32
    %dma_wait3A_370 = arith.constant 0 : i32
    %dma_wait3A_371 = arith.constant 0 : i32
    %dma_wait3A_372 = tpu.memref_slice %arg8[%dma_wait3A_369, %dma_wait3A_370, %dma_wait3A_371] : memref<6x128x128xf32, #tpu.memory_space<vmem>> -> memref<1x128x128xf32, #tpu.memory_space<vmem>>
    %dma_wait3A_373 = tpu.memref_squeeze %dma_wait3A_372 : memref<1x128x128xf32, #tpu.memory_space<vmem>> -> memref<128x128xf32, #tpu.memory_space<vmem>>
    %dma_wait3A_374 = arith.constant 0 : i32
    %dma_wait3A_375 = tpu.memref_slice %arg5[%add3A_132, %dma_wait3A_374] : memref<16384x128xf32, #tpu.memory_space<hbm>> -> memref<128x128xf32, #tpu.memory_space<hbm>>
    %dma_wait3A_376 = arith.constant 0 : i32
    %dma_wait3A_377 = tpu.memref_slice %arg5[%add3A_132, %dma_wait3A_376] : memref<16384x128xf32, #tpu.memory_space<hbm>> -> memref<128x128xf32, #tpu.memory_space<hbm>>
    %dma_wait3A_378 = arith.constant 0 : i32
    %dma_wait3A_379 = arith.constant 0 : i32
    %dma_wait3A_380 = tpu.memref_slice %arg8[%dma_wait3A_369, %dma_wait3A_378, %dma_wait3A_379] : memref<6x128x128xf32, #tpu.memory_space<vmem>> -> memref<1x128x128xf32, #tpu.memory_space<vmem>>
    %dma_wait3A_381 = tpu.memref_squeeze %dma_wait3A_380 : memref<1x128x128xf32, #tpu.memory_space<vmem>> -> memref<128x128xf32, #tpu.memory_space<vmem>>
    tpu.wait_dma2 semaphore(%arg17 : memref<!tpu.dma_semaphore, #tpu.memory_space<semaphore_mem>>) src(%dma_wait3A_381 : memref<128x128xf32, #tpu.memory_space<vmem>>) dst(%dma_wait3A_377 : memref<128x128xf32, #tpu.memory_space<hbm>>)
    %dma_wait3A_382 = arith.constant 3 : i32
    %dma_wait3A_383 = arith.constant 0 : i32
    %dma_wait3A_384 = arith.constant 0 : i32
    %dma_wait3A_385 = tpu.memref_slice %arg8[%dma_wait3A_382, %dma_wait3A_383, %dma_wait3A_384] : memref<6x128x128xf32, #tpu.memory_space<vmem>> -> memref<1x128x128xf32, #tpu.memory_space<vmem>>
    %dma_wait3A_386 = tpu.memref_squeeze %dma_wait3A_385 : memref<1x128x128xf32, #tpu.memory_space<vmem>> -> memref<128x128xf32, #tpu.memory_space<vmem>>
    %dma_wait3A_387 = arith.constant 0 : i32
    %dma_wait3A_388 = tpu.memref_slice %arg5[%add3A_171, %dma_wait3A_387] : memref<16384x128xf32, #tpu.memory_space<hbm>> -> memref<128x128xf32, #tpu.memory_space<hbm>>
    %dma_wait3A_389 = arith.constant 0 : i32
    %dma_wait3A_390 = tpu.memref_slice %arg5[%add3A_171, %dma_wait3A_389] : memref<16384x128xf32, #tpu.memory_space<hbm>> -> memref<128x128xf32, #tpu.memory_space<hbm>>
    %dma_wait3A_391 = arith.constant 0 : i32
    %dma_wait3A_392 = arith.constant 0 : i32
    %dma_wait3A_393 = tpu.memref_slice %arg8[%dma_wait3A_382, %dma_wait3A_391, %dma_wait3A_392] : memref<6x128x128xf32, #tpu.memory_space<vmem>> -> memref<1x128x128xf32, #tpu.memory_space<vmem>>
    %dma_wait3A_394 = tpu.memref_squeeze %dma_wait3A_393 : memref<1x128x128xf32, #tpu.memory_space<vmem>> -> memref<128x128xf32, #tpu.memory_space<vmem>>
    tpu.wait_dma2 semaphore(%arg18 : memref<!tpu.dma_semaphore, #tpu.memory_space<semaphore_mem>>) src(%dma_wait3A_394 : memref<128x128xf32, #tpu.memory_space<vmem>>) dst(%dma_wait3A_390 : memref<128x128xf32, #tpu.memory_space<hbm>>)
    %dma_wait3A_395 = arith.constant 4 : i32
    %dma_wait3A_396 = arith.constant 0 : i32
    %dma_wait3A_397 = arith.constant 0 : i32
    %dma_wait3A_398 = tpu.memref_slice %arg8[%dma_wait3A_395, %dma_wait3A_396, %dma_wait3A_397] : memref<6x128x128xf32, #tpu.memory_space<vmem>> -> memref<1x128x128xf32, #tpu.memory_space<vmem>>
    %dma_wait3A_399 = tpu.memref_squeeze %dma_wait3A_398 : memref<1x128x128xf32, #tpu.memory_space<vmem>> -> memref<128x128xf32, #tpu.memory_space<vmem>>
    %dma_wait3A_400 = arith.constant 0 : i32
    %dma_wait3A_401 = tpu.memref_slice %arg6[%add3A_223, %dma_wait3A_400] : memref<16384x128xf32, #tpu.memory_space<hbm>> -> memref<128x128xf32, #tpu.memory_space<hbm>>
    %dma_wait3A_402 = arith.constant 0 : i32
    %dma_wait3A_403 = tpu.memref_slice %arg6[%add3A_223, %dma_wait3A_402] : memref<16384x128xf32, #tpu.memory_space<hbm>> -> memref<128x128xf32, #tpu.memory_space<hbm>>
    %dma_wait3A_404 = arith.constant 0 : i32
    %dma_wait3A_405 = arith.constant 0 : i32
    %dma_wait3A_406 = tpu.memref_slice %arg8[%dma_wait3A_395, %dma_wait3A_404, %dma_wait3A_405] : memref<6x128x128xf32, #tpu.memory_space<vmem>> -> memref<1x128x128xf32, #tpu.memory_space<vmem>>
    %dma_wait3A_407 = tpu.memref_squeeze %dma_wait3A_406 : memref<1x128x128xf32, #tpu.memory_space<vmem>> -> memref<128x128xf32, #tpu.memory_space<vmem>>
    tpu.wait_dma2 semaphore(%arg19 : memref<!tpu.dma_semaphore, #tpu.memory_space<semaphore_mem>>) src(%dma_wait3A_407 : memref<128x128xf32, #tpu.memory_space<vmem>>) dst(%dma_wait3A_403 : memref<128x128xf32, #tpu.memory_space<hbm>>)
    %dma_wait3A_408 = arith.constant 5 : i32
    %dma_wait3A_409 = arith.constant 0 : i32
    %dma_wait3A_410 = arith.constant 0 : i32
    %dma_wait3A_411 = tpu.memref_slice %arg8[%dma_wait3A_408, %dma_wait3A_409, %dma_wait3A_410] : memref<6x128x128xf32, #tpu.memory_space<vmem>> -> memref<1x128x128xf32, #tpu.memory_space<vmem>>
    %dma_wait3A_412 = tpu.memref_squeeze %dma_wait3A_411 : memref<1x128x128xf32, #tpu.memory_space<vmem>> -> memref<128x128xf32, #tpu.memory_space<vmem>>
    %dma_wait3A_413 = arith.constant 0 : i32
    %dma_wait3A_414 = tpu.memref_slice %arg6[%add3A_275, %dma_wait3A_413] : memref<16384x128xf32, #tpu.memory_space<hbm>> -> memref<128x128xf32, #tpu.memory_space<hbm>>
    %dma_wait3A_415 = arith.constant 0 : i32
    %dma_wait3A_416 = tpu.memref_slice %arg6[%add3A_275, %dma_wait3A_415] : memref<16384x128xf32, #tpu.memory_space<hbm>> -> memref<128x128xf32, #tpu.memory_space<hbm>>
    %dma_wait3A_417 = arith.constant 0 : i32
    %dma_wait3A_418 = arith.constant 0 : i32
    %dma_wait3A_419 = tpu.memref_slice %arg8[%dma_wait3A_408, %dma_wait3A_417, %dma_wait3A_418] : memref<6x128x128xf32, #tpu.memory_space<vmem>> -> memref<1x128x128xf32, #tpu.memory_space<vmem>>
    %dma_wait3A_420 = tpu.memref_squeeze %dma_wait3A_419 : memref<1x128x128xf32, #tpu.memory_space<vmem>> -> memref<128x128xf32, #tpu.memory_space<vmem>>
    tpu.wait_dma2 semaphore(%arg20 : memref<!tpu.dma_semaphore, #tpu.memory_space<semaphore_mem>>) src(%dma_wait3A_420 : memref<128x128xf32, #tpu.memory_space<vmem>>) dst(%dma_wait3A_416 : memref<128x128xf32, #tpu.memory_space<hbm>>)
    return
  }
}

module attributes {stable_mosaic.version = 14 : i64} {
  func.func @_r_body(%arg0: i32, %arg1: memref<8x1x128xi32, #tpu.memory_space<vmem>>, %arg2: memref<1000x128xf32, #tpu.memory_space<vmem>>, %arg3: memref<1024x128xf32, #tpu.memory_space<vmem>>) attributes {dimension_semantics = [#tpu.dimension_semantics<arbitrary>], iteration_bounds = array<i64: 16>, scalar_prefetch = 0 : i64, scratch_operands = 0 : i64, tpu.core_type = #tpu.core_type<tc>, window_params = [{transform_indices = @transform_0, window_bounds = array<i64: 8, 1, 128>}, {pipeline_mode = #tpu.pipeline_mode<synchronous>, transform_indices = @transform_1, window_bounds = array<i64: 1000, 128>}, {transform_indices = @transform_2, window_bounds = array<i64: 1024, 128>}]} {
    %get3A = arith.constant 0 : index
    %get3A_0 = arith.constant 0 : index
    %get3A_1 = arith.constant 0 : index
    %get3A_2 = vector.load %arg1[%get3A, %get3A_0, %get3A_1] : memref<8x1x128xi32, #tpu.memory_space<vmem>>, vector<8x1x128xi32>
    %reshape3A = vector.shape_cast %get3A_2 : vector<8x1x128xi32> to vector<8x128xi32>
    %iota3A = tpu.iota {dimensions = array<i32: 0>} : vector<1000x128xi32>
    %slice3A = vector.extract_strided_slice %reshape3A {offsets = [0, 0], sizes = [1, 128], strides = [1, 1]} : vector<8x128xi32> to vector<1x128xi32>
    %eq3A = vector.broadcast %slice3A : vector<1x128xi32> to vector<1000x128xi32>
    %eq3A_3 = arith.cmpi eq, %eq3A, %iota3A : vector<1000x128xi32>
    %jit3A = arith.constant 1.000000e+00 : f32
    %jit3A_4 = arith.constant 0.000000e+00 : f32
    %broadcast_in_dim3A = vector.broadcast %jit3A : f32 to vector<1000x128xf32>
    %broadcast_in_dim3A_5 = vector.broadcast %jit3A_4 : f32 to vector<1000x128xf32>
    %select_n3A = arith.select %eq3A_3, %broadcast_in_dim3A, %broadcast_in_dim3A_5 : vector<1000x128xi1>, vector<1000x128xf32>
    %slice3A_6 = vector.extract_strided_slice %reshape3A {offsets = [1, 0], sizes = [1, 128], strides = [1, 1]} : vector<8x128xi32> to vector<1x128xi32>
    %eq3A_7 = vector.broadcast %slice3A_6 : vector<1x128xi32> to vector<1000x128xi32>
    %eq3A_8 = arith.cmpi eq, %eq3A_7, %iota3A : vector<1000x128xi32>
    %jit3A_9 = arith.constant 1.000000e+00 : f32
    %jit3A_10 = arith.constant 0.000000e+00 : f32
    %broadcast_in_dim3A_11 = vector.broadcast %jit3A_9 : f32 to vector<1000x128xf32>
    %broadcast_in_dim3A_12 = vector.broadcast %jit3A_10 : f32 to vector<1000x128xf32>
    %select_n3A_13 = arith.select %eq3A_8, %broadcast_in_dim3A_11, %broadcast_in_dim3A_12 : vector<1000x128xi1>, vector<1000x128xf32>
    %slice3A_14 = vector.extract_strided_slice %reshape3A {offsets = [2, 0], sizes = [1, 128], strides = [1, 1]} : vector<8x128xi32> to vector<1x128xi32>
    %eq3A_15 = vector.broadcast %slice3A_14 : vector<1x128xi32> to vector<1000x128xi32>
    %eq3A_16 = arith.cmpi eq, %eq3A_15, %iota3A : vector<1000x128xi32>
    %jit3A_17 = arith.constant 1.000000e+00 : f32
    %jit3A_18 = arith.constant 0.000000e+00 : f32
    %broadcast_in_dim3A_19 = vector.broadcast %jit3A_17 : f32 to vector<1000x128xf32>
    %broadcast_in_dim3A_20 = vector.broadcast %jit3A_18 : f32 to vector<1000x128xf32>
    %select_n3A_21 = arith.select %eq3A_16, %broadcast_in_dim3A_19, %broadcast_in_dim3A_20 : vector<1000x128xi1>, vector<1000x128xf32>
    %slice3A_22 = vector.extract_strided_slice %reshape3A {offsets = [3, 0], sizes = [1, 128], strides = [1, 1]} : vector<8x128xi32> to vector<1x128xi32>
    %eq3A_23 = vector.broadcast %slice3A_22 : vector<1x128xi32> to vector<1000x128xi32>
    %eq3A_24 = arith.cmpi eq, %eq3A_23, %iota3A : vector<1000x128xi32>
    %jit3A_25 = arith.constant 1.000000e+00 : f32
    %jit3A_26 = arith.constant 0.000000e+00 : f32
    %broadcast_in_dim3A_27 = vector.broadcast %jit3A_25 : f32 to vector<1000x128xf32>
    %broadcast_in_dim3A_28 = vector.broadcast %jit3A_26 : f32 to vector<1000x128xf32>
    %select_n3A_29 = arith.select %eq3A_24, %broadcast_in_dim3A_27, %broadcast_in_dim3A_28 : vector<1000x128xi1>, vector<1000x128xf32>
    %slice3A_30 = vector.extract_strided_slice %reshape3A {offsets = [4, 0], sizes = [1, 128], strides = [1, 1]} : vector<8x128xi32> to vector<1x128xi32>
    %eq3A_31 = vector.broadcast %slice3A_30 : vector<1x128xi32> to vector<1000x128xi32>
    %eq3A_32 = arith.cmpi eq, %eq3A_31, %iota3A : vector<1000x128xi32>
    %jit3A_33 = arith.constant 1.000000e+00 : f32
    %jit3A_34 = arith.constant 0.000000e+00 : f32
    %broadcast_in_dim3A_35 = vector.broadcast %jit3A_33 : f32 to vector<1000x128xf32>
    %broadcast_in_dim3A_36 = vector.broadcast %jit3A_34 : f32 to vector<1000x128xf32>
    %select_n3A_37 = arith.select %eq3A_32, %broadcast_in_dim3A_35, %broadcast_in_dim3A_36 : vector<1000x128xi1>, vector<1000x128xf32>
    %slice3A_38 = vector.extract_strided_slice %reshape3A {offsets = [5, 0], sizes = [1, 128], strides = [1, 1]} : vector<8x128xi32> to vector<1x128xi32>
    %eq3A_39 = vector.broadcast %slice3A_38 : vector<1x128xi32> to vector<1000x128xi32>
    %eq3A_40 = arith.cmpi eq, %eq3A_39, %iota3A : vector<1000x128xi32>
    %jit3A_41 = arith.constant 1.000000e+00 : f32
    %jit3A_42 = arith.constant 0.000000e+00 : f32
    %broadcast_in_dim3A_43 = vector.broadcast %jit3A_41 : f32 to vector<1000x128xf32>
    %broadcast_in_dim3A_44 = vector.broadcast %jit3A_42 : f32 to vector<1000x128xf32>
    %select_n3A_45 = arith.select %eq3A_40, %broadcast_in_dim3A_43, %broadcast_in_dim3A_44 : vector<1000x128xi1>, vector<1000x128xf32>
    %slice3A_46 = vector.extract_strided_slice %reshape3A {offsets = [6, 0], sizes = [1, 128], strides = [1, 1]} : vector<8x128xi32> to vector<1x128xi32>
    %eq3A_47 = vector.broadcast %slice3A_46 : vector<1x128xi32> to vector<1000x128xi32>
    %eq3A_48 = arith.cmpi eq, %eq3A_47, %iota3A : vector<1000x128xi32>
    %jit3A_49 = arith.constant 1.000000e+00 : f32
    %jit3A_50 = arith.constant 0.000000e+00 : f32
    %broadcast_in_dim3A_51 = vector.broadcast %jit3A_49 : f32 to vector<1000x128xf32>
    %broadcast_in_dim3A_52 = vector.broadcast %jit3A_50 : f32 to vector<1000x128xf32>
    %select_n3A_53 = arith.select %eq3A_48, %broadcast_in_dim3A_51, %broadcast_in_dim3A_52 : vector<1000x128xi1>, vector<1000x128xf32>
    %slice3A_54 = vector.extract_strided_slice %reshape3A {offsets = [7, 0], sizes = [1, 128], strides = [1, 1]} : vector<8x128xi32> to vector<1x128xi32>
    %eq3A_55 = vector.broadcast %slice3A_54 : vector<1x128xi32> to vector<1000x128xi32>
    %eq3A_56 = arith.cmpi eq, %eq3A_55, %iota3A : vector<1000x128xi32>
    %jit3A_57 = arith.constant 1.000000e+00 : f32
    %jit3A_58 = arith.constant 0.000000e+00 : f32
    %broadcast_in_dim3A_59 = vector.broadcast %jit3A_57 : f32 to vector<1000x128xf32>
    %broadcast_in_dim3A_60 = vector.broadcast %jit3A_58 : f32 to vector<1000x128xf32>
    %select_n3A_61 = arith.select %eq3A_56, %broadcast_in_dim3A_59, %broadcast_in_dim3A_60 : vector<1000x128xi1>, vector<1000x128xf32>
    %concatenate3A = tpu.concatenate %select_n3A, %select_n3A_13, %select_n3A_21, %select_n3A_29, %select_n3A_37, %select_n3A_45, %select_n3A_53, %select_n3A_61 in 1 : vector<1000x128xf32>, vector<1000x128xf32>, vector<1000x128xf32>, vector<1000x128xf32>, vector<1000x128xf32>, vector<1000x128xf32>, vector<1000x128xf32>, vector<1000x128xf32> -> vector<1000x1024xf32>
    %convert_element_type3A = arith.truncf %concatenate3A : vector<1000x1024xf32> to vector<1000x1024xbf16>
    %get3A_62 = arith.constant 0 : index
    %get3A_63 = arith.constant 0 : index
    %get3A_64 = vector.load %arg2[%get3A_62, %get3A_63] : memref<1000x128xf32, #tpu.memory_space<vmem>>, vector<1000x128xf32>
    %convert_element_type3A_65 = arith.truncf %get3A_64 : vector<1000x128xf32> to vector<1000x128xbf16>
    %convert_element_type3A_66 = arith.extf %convert_element_type3A_65 : vector<1000x128xbf16> to vector<1000x128xf32>
    %sub3A = arith.subf %get3A_64, %convert_element_type3A_66 : vector<1000x128xf32>
    %convert_element_type3A_67 = arith.truncf %sub3A : vector<1000x128xf32> to vector<1000x128xbf16>
    %concatenate3A_68 = tpu.concatenate %convert_element_type3A_65, %convert_element_type3A_67 in 1 : vector<1000x128xbf16>, vector<1000x128xbf16> -> vector<1000x256xbf16>
    %dot_general3A = arith.constant dense<0.000000e+00> : vector<1024x256xf32>
    %dot_general3A_69 = tpu.matmul %convert_element_type3A, %concatenate3A_68, %dot_general3A {dimension_numbers = #tpu.dot_dimension_numbers<[0], [0], [1], [1], [0, 1, 1, 1], [], []>, transpose_lhs_hint = false} : vector<1000x1024xbf16>, vector<1000x256xbf16>, vector<1024x256xf32> -> vector<1024x256xf32>
    %slice3A_70 = vector.extract_strided_slice %dot_general3A_69 {offsets = [0, 0], sizes = [1024, 128], strides = [1, 1]} : vector<1024x256xf32> to vector<1024x128xf32>
    %slice3A_71 = vector.extract_strided_slice %dot_general3A_69 {offsets = [0, 128], sizes = [1024, 128], strides = [1, 1]} : vector<1024x256xf32> to vector<1024x128xf32>
    %add3A = arith.addf %slice3A_70, %slice3A_71 : vector<1024x128xf32>
    %swap3A = arith.constant 0 : index
    %swap3A_72 = arith.constant 0 : index
    %swap3A_73 = vector.load %arg3[%swap3A, %swap3A_72] : memref<1024x128xf32, #tpu.memory_space<vmem>>, vector<1024x128xf32>
    tpu.vector_store %arg3[%swap3A, %swap3A_72], %add3A {strides = array<i32>} : memref<1024x128xf32, #tpu.memory_space<vmem>>, vector<1024x128xf32>,
    return
  }
  func.func @transform_0(%arg0: i32) -> (i32, i32, i32) {
    %c0_i32 = arith.constant 0 : i32
    %c0_i32_0 = arith.constant 0 : i32
    %c0_i32_1 = arith.constant 0 : i32
    return %arg0, %c0_i32, %c0_i32_0 : i32, i32, i32
  }
  func.func @transform_1(%arg0: i32) -> (i32, i32) {
    %c0_i32 = arith.constant 0 : i32
    %c0_i32_0 = arith.constant 0 : i32
    %c0_i32_1 = arith.constant 0 : i32
    return %c0_i32, %c0_i32_0 : i32, i32
  }
  func.func @transform_2(%arg0: i32) -> (i32, i32) {
    %c0_i32 = arith.constant 0 : i32
    %c0_i32_0 = arith.constant 0 : i32
    return %arg0, %c0_i32 : i32, i32
  }
}

</mosaic_0001>

<sc_bundles>
// kernel: _trans_e.4.cloned.1.call-start
scs
__scs_entry_jumppad:
0x0: {  	(pc) =	sbr.rel $0x88, $3  }
0x1: {  	(tag) =	ssettag $0x0;
	lr =	simm.s32 $0x1  }
0x2: {  	[smem:$0x3F9C] =	sst lr;
	_ =	strace $0xD0000000  }
0x3: {  	_ = 	snop  }
0x4: {  	_ = 	snop  }
0x5: {  	_ = 	snop  }
0x6: {  	_ = 	snop  }
0x7: {  	_ = 	snop  }
__scs_overlays_trampoline_lowered:
0x8: {  	[smem:$0x3FAB] =	sst s0  }
0x9: {  	[smem:$0x3FAC] =	sst s1  }
0xa: {  	[smem:$0x3FAD] =	sst s2  }
0xb: {  	[smem:$0x3FAE] =	sst s3  }
0xc: {  	[smem:$0x3FAF] =	sst s4  }
0xd: {  	[smem:$0x3FB0] =	sst s5  }
0xe: {  	[smem:$0x3FB1] =	sst s6  }
0xf: {  	[smem:$0x3FB2] =	sst s7  }
0x10: {  	[smem:$0x3FB3] =	sst s8  }
0x11: {  	[smem:$0x3FB4] =	sst s9;
	s0 =	simm.s32 @!p0 $0x0  }
0x12: {  	s1 =	sld [smem:$0x3F9A];
	s0 =	simm.s32 @p0 $0x1  }
0x13: {  	[smem:$0x3FB5] =	sst s0;
	s0 =	simm.s32 @!p1 $0x0  }
0x14: {  	s2 =	sld [smem:$0x3F99];
	s0 =	simm.s32 @p1 $0x1  }
0x15: {  	[smem:$0x3FB6] =	sst s0;
	s0 =	simm.s32 @!p2 $0x0  }
0x16: {  	s3 =	sld [smem:$0x3FDB];
	s0 =	simm.s32 @p2 $0x1  }
0x17: {  	s4 =	simm.s32 $0x1BF5;
	[smem:$0x3FB8] =	sst s0  }
0x18: {  	s0 =	sld [smem:$0x3F9B];
	_ =	swait.ge [sflag:s4], $0x0  }
0x19: {  	s7 =	sld [smem:$0x3F9C]  }
0x1a: {  	s8 =	sadd.s32 $0xFFFFE003, lr  }
0x1b: {  	s9 =	sadd.s32 $0xFFFFFEF7, lr;
	s5 =	simm.s32 $0xFFFFFFFF;
	p2 =	slt.u32 s8, $0xFFFFF086  }
0x1c: {  	p1 =	slt.u32 s9, $0xF7A;
	s5 =	simm.s32 @!p2 $0x0  }
0x1d: {  	s5 =	simm.s32 @p1 $0x1;
	p0 =	seq.s32 s7, s2  }
0x1e: {  	s7 =	smul.u32 @!p0 $0xF7A, s2;
	p2 =	seq.s32 @!p0 s5, $0x0  }
0x1f: {  	s9 =	smul.u32 $0xF7A, s1;
	s8 =	simm.s32 @!p0 $0x1BF5;
	p2 =	por !p2, p0  }
0x20: {  	[sflag:s8] =	ssyncset.s32 @!p0 $0xFFFFF086;
	s6 =	sadd.s32 @!p0 s3, s7;
	s7 =	simm.s32 @!p0 $0x108  }
0x21: {  	s3 =	sadd.s32 s3, s9;
	s6 =	sadd.s32 @!p0 $0x88, s6;
	s7 =	simm.s32 @p2 $0x1082  }
0x22: {  	[simem:s7], [sflag:s8] =	dma.local @!p0 [hbm:s6], $0xF7A  }
0x23: {  	s9 =	sor.u32 $0xD0000000, s2;
	s6 =	simm.s32 $0x108;
	_ =	swait.ge @!p0 [sflag:s8], $0x0  }
0x24: {  	s3 =	sadd.s32 $0x88, s3;
	s6 =	simm.s32 @!p1 $0x1082;
	[sflag:s4] =	ssyncset.s32 $0xFFFFF086  }
0x25: {  	[simem:s6], [sflag:s4] =	dma.local [hbm:s3], $0xF7A  }
0x26: {  	[smem:$0x3F9C] =	sst s1;
	(tag) =	ssettag s2;
	_ =	strace s9  }
0x27: {  	s1 =	sld [smem:$0x3FAC]  }
0x28: {  	s2 =	sld [smem:$0x3FAD]  }
0x29: {  	s4 =	sld [smem:$0x3FAF]  }
0x2a: {  	p0 =	seq.s32 s5, $0x0;
	s5 =	sld [smem:$0x3FB0]  }
0x2b: {  	s6 =	sld [smem:$0x3FB1]  }
0x2c: {  	s7 =	sld [smem:$0x3FB2]  }
0x2d: {  	s3 =	simm.s32 $0x108;
	s8 =	sld [smem:$0x3FB3]  }
0x2e: {  	s3 =	simm.s32 @!p0 $0x1082;
	s9 =	sld [smem:$0x3FB4]  }
0x2f: {  	lr =	sadd.s32 s0, s3;
	s0 =	sld [smem:$0x3FAB]  }
0x30: {  	s3 =	sld [smem:$0x3FAE]  }
0x31: {  	[smem:$0x3FB7] =	sst s10  }
0x32: {  	s10 =	sld [smem:$0x3FB5];
	_ =	sdelay $0x3  }
0x33: {  	p0 =	seq.s32 s10, $0x1;
	s10 =	sld [smem:$0x3FB7];
	_ =	sdelay $0x3  }
0x34: {  	[smem:$0x3FB7] =	sst s10  }
0x35: {  	s10 =	sld [smem:$0x3FB6];
	_ =	sdelay $0x3  }
0x36: {  	p1 =	seq.s32 s10, $0x1;
	s10 =	sld [smem:$0x3FB7];
	_ =	sdelay $0x3  }
0x37: {  	[smem:$0x3FB7] =	sst s10  }
0x38: {  	s10 =	sld [smem:$0x3FB8]  }
0x39: {  	_ = 	snop;
	(pc) =	sbr.ind lr, $3  }
0x3a: {  	_ = 	snop  }
0x3b: {  	_ = 	snop  }
0x3c: {  	p2 =	seq.s32 s10, $0x1;
	s10 =	sld [smem:$0x3FB7]  }
0x3d: {  	_ =	shalt  }
0x3e: {  	_ =	shalt  }
0x3f: {  	_ =	shalt  }
0x40: {  	_ =	shalt  }
0x41: {  	_ =	shalt  }
0x42: {  	_ =	shalt  }
0x43: {  	_ =	shalt  }
0x44: {  	_ =	shalt  }
0x45: {  	_ =	shalt  }
0x46: {  	_ =	shalt  }
0x47: {  	_ =	shalt  }
0x48: {  	_ =	shalt  }
0x49: {  	_ =	shalt  }
0x4a: {  	_ =	shalt  }
0x4b: {  	_ =	shalt  }
0x4c: {  	_ =	shalt  }
0x4d: {  	_ =	shalt  }
0x4e: {  	_ =	shalt  }
0x4f: {  	_ =	shalt  }
0x50: {  	_ =	shalt  }
0x51: {  	_ =	shalt  }
0x52: {  	_ =	shalt  }
0x53: {  	_ =	shalt  }
0x54: {  	_ =	shalt  }
0x55: {  	_ =	shalt  }
0x56: {  	_ =	shalt  }
0x57: {  	_ =	shalt  }
0x58: {  	_ =	shalt  }
0x59: {  	_ =	shalt  }
0x5a: {  	_ =	shalt  }
0x5b: {  	_ =	shalt  }
0x5c: {  	_ =	shalt  }
0x5d: {  	_ =	shalt  }
0x5e: {  	_ =	shalt  }
0x5f: {  	_ =	shalt  }
0x60: {  	_ =	shalt  }
0x61: {  	_ =	shalt  }
0x62: {  	_ =	shalt  }
0x63: {  	_ =	shalt  }
0x64: {  	_ =	shalt  }
0x65: {  	_ =	shalt  }
0x66: {  	_ =	shalt  }
0x67: {  	_ =	shalt  }
0x68: {  	_ =	shalt  }
0x69: {  	_ =	shalt  }
0x6a: {  	_ =	shalt  }
0x6b: {  	_ =	shalt  }
0x6c: {  	_ =	shalt  }
0x6d: {  	_ =	shalt  }
0x6e: {  	_ =	shalt  }
0x6f: {  	_ =	shalt  }
0x70: {  	_ =	shalt  }
0x71: {  	_ =	shalt  }
0x72: {  	_ =	shalt  }
0x73: {  	_ =	shalt  }
0x74: {  	_ =	shalt  }
0x75: {  	_ =	shalt  }
0x76: {  	_ =	shalt  }
0x77: {  	_ =	shalt  }
0x78: {  	_ =	shalt  }
0x79: {  	_ =	shalt  }
0x7a: {  	_ =	shalt  }
0x7b: {  	_ =	shalt  }
0x7c: {  	_ =	shalt  }
0x7d: {  	_ =	shalt  }
0x7e: {  	_ =	shalt  }
0x7f: {  	_ =	shalt  }
0x80: {  	_ =	shalt  }
0x81: {  	_ =	shalt  }
0x82: {  	_ =	shalt  }
0x83: {  	_ =	shalt  }
0x84: {  	_ =	shalt  }
0x85: {  	_ =	shalt  }
0x86: {  	_ =	shalt  }
0x87: {  	_ =	shalt  }
.Lfunc_end0:
.L_simem_size_0:
called_computation_lowered:
.L_overlay_start_0:
0x88: {  	s2 =	sld [smem:$0x3FD9]  }
0x89: {  	s3 =	sld [smem:$0x3FFE];
	_ =	sdelay $0x1  }
0x8a: {  	s1 =	srdreg.scid  }
0x8b: {  	s0 =	sand.u32 $0x1, s1  }
0x8c: {  	s15 =	sshll.u32 s0, $0xA;
	s2 =	sadd.s32 s3, s2  }
0x8d: {  	s2 =	sadd.s32 s2, s15  }
0x8e: {  	[smem:$0x3FC3] =	sst s2  }
0x8f: {  	_ = 	snop  }
0x90: {  	s2 =	sld [smem:$0x3FD0]  }
0x91: {  	s16 =	sld [smem:$0x3FC9]  }
0x92: {  	s4 =	sld [smem:$0x3FC8]  }
0x93: {  	s6 =	simm.s32 $0xA;
	s7 =	simm.s32 $0x10;
	s5 =	sld [smem:$0x3FC6]  }
0x94: {  	[smem:s7], [sflag:s6] =	dma.local [hbm:s2], $0x1  }
0x95: {  	_ =	swait.eq [sflag:s6], $0x1  }
0x96: {  	[sflag:s6] =	ssyncset.done $0x0  }
0x97: {  	s17 =	sld [smem:$0x10];
	[sflag:s6] =	ssyncadd.s32 $0xFFFFFFFF  }
0x98: {  	s18 =	sld [smem:$0x11];
	(tm) =	ssettm $0x1  }
0x99: {  	s19 =	sld [smem:$0x3FFB];
	_ =	sdelay $0x3  }
0x9a: {  	_ =	strace s19  }
0x9b: {  	s7 =	sld [smem:$0x3FFC];
	_ =	sdelay $0x3  }
0x9c: {  	_ =	strace s7  }
0x9d: {  	s7 =	sld [smem:$0x3FFD];
	_ =	sdelay $0x3  }
0x9e: {  	_ =	strace s7  }
0x9f: {  	_ =	strace $0x8FFFFFFF  }
0xa0: {  	s20 =	sld [smem:$0x3FDB];
	_ =	sdelay $0x1  }
0xa1: {  	s8 =	simm.s32 $_scs_section_size  }
0xa2: {  	s9 =	simm.s32 $_size__tile_overlayer_lowered;
	s10 =	simm.s32 $_tile_overlayer_lowered  }
0xa3: {  	s23 =	simm.s32 $0x1BFF;
	s22 =	sshll.u32 s10, $0x1;
	s7 =	sadd.s32 s8, s20  }
0xa4: {  	s11 =	simm.s32 $0x0;
	s21 =	sshll.u32 s9, $0x1;
	s9 =	sadd.s32 s22, s7  }
0xa5: {  	[timem:s11], [sflag:s23] =	dma.local [hbm:s9], s21  }
0xa6: {  	_ =	swait.ge [sflag:s23], s21  }
0xa7: {  	s8 =	ssub.s32 $0x0, s21;
	[sflag:s23] =	ssyncset.done $0x0  }
0xa8: {  	[sflag:s23] =	ssyncadd.s32 s8;
	_ =	sdelay $0x1  }
0xa9: {  	s24 =	simm.s32 $0x1B8B  }
0xaa: {  	_ =	swait.ge [sflag:s24], $0x1  }
0xab: {  	[sflag:s24] =	ssyncset.done $0x0  }
0xac: {  	s25 =	simm.s32 $0x1B8E;
	[sflag:s24] =	ssyncadd.s32 $0xFFFFFFFF  }
0xad: {  	s26 =	simm.s32 $execute0_lowered;
	[smem:$0x3FD2] =	sst s25  }
0xae: {  	s8 =	sshll.u32 s26, $0x1;
	_ =	strace $0x80000046;
	[dreg:$0x1] =	wrdreg $0xFFFFFFFF  }
0xaf: {  	s28 =	simm.s32 $_size_execute0_lowered;
	s7 =	sadd.s32 s7, s8;
	[dreg:$0x0] =	wrdreg $0x0  }
0xb0: {  	s8 =	sshll.u32 s28, $0x1;
	[dreg:$0x2] =	wrdreg s7  }
0xb1: {  	[dreg:$0x3] =	wrdreg s8  }
0xb2: {  	[dreg:$0x4] =	wrdreg $0xC0  }
0xb3: {  	_ =	task [dreg:s11], $0x5FFFF  }
0xb4: {  	[dreg:$0x1] =	wrdreg $0xFFFFFFFF  }
0xb5: {  	[dreg:$0x0] =	wrdreg $0x60  }
0xb6: {  	[dreg:$0x2] =	wrdreg s16  }
0xb7: {  	[dreg:$0x3] =	wrdreg s4  }
0xb8: {  	[dreg:$0x4] =	wrdreg s5  }
0xb9: {  	[dreg:$0x5] =	wrdreg s17  }
0xba: {  	[dreg:$0x6] =	wrdreg s18  }
0xbb: {  	[dreg:$0x7] =	wrdreg $0x9  }
0xbc: {  	_ =	task.clear_ibuf [dreg:s11], $0x8FFFF;
	_ =	strace $0x90000046  }
0xbd: {  	s29 =	simm.s32 $0x9;
	_ =	strace $0x80000048  }
0xbe: {  	_ =	swait.ge [sflag:s29], $0x1  }
0xbf: {  	[sflag:s29] =	ssyncadd.s32 $0xFFFFFFFF  }
0xc0: {  	_ =	strace $0x90000048  }
0xc1: {  	_ =	sfence  }
0xc2: {  	s30 =	sld [smem:$0x0];
	_ =	sdelay $0x2  }
0xc3: {  	s31 =	sshll.u32 s1, $0xD;
	s1 =	sshrl.u32 s1, $0x2  }
0xc4: {  	s3 =	sand.u32 $0x4000, s31;
	s1 =	sadd.s32 s1, s30  }
0xc5: {  	s0 =	sor.u32 s3, s0;
	s1 =	sshll.u32 s1, $0x11  }
0xc6: {  	s0 =	sor.u32 s1, s0  }
0xc7: {  	s0 =	sadd.s32 $0x8F2B, s0  }
0xc8: {  	[sflag:s0] =	ssyncadd.remote.s32 $0x1  }
0xc9: {  	_ =	sfence.sel $0xFFFF  }
0xca: {  	[dreg:$0x0] =	wrdreg $0xFFFFFFFF;
	(pc) =	sbr.abs _section_cstart, $3  }
0xcb: {  	[dreg:$0x1] =	wrdreg $0xFFFFFFFF  }
0xcc: {  	_ =	task.clear_ibuf [dreg:s11], $0x2FFFF;
	_ =	strace $0x9FFFFFFF  }
0xcd: {  	(tm) =	ssettm $0x7FFFFFFF  }
tec
execute0_lowered:
.L_overlay_start_1:
0x0: {  	(tag) =	ssettag $0x1  }
0x1: {  	s0 =	rddreg [dreg:$0x0]  }
0x2: {  	s1 =	rddreg [dreg:$0x1]  }
0x3: {  	s3 =	rddreg [dreg:$0x2]  }
0x4: {  	s4 =	rddreg [dreg:$0x3]  }
0x5: {  	s5 =	rddreg [dreg:$0x4]  }
0x6: {  	s6 =	srdreg.scid;
	s2 =	simm.s32 $0x0;
	s9 =	stileid.u32  }
0x7: {  	s30 =	simm.s32 $0xD;
	s22 =	simm.s32 $0x200;
	s31 =	simm.s32 $0x100  }
0x8: {  	s23 =	simm.s32 $0x8400;
	s29 =	simm.s32 $0x180;
	s28 =	simm.s32 $0x3  }
0x9: {  	s24 =	simm.s32 $0x300;
	p0 =	por $0x0, $0x0;
	s6 =	sand.u32 $0x1, s6  }
0xa: {  	[smem:$0x7FF] =	sst s2;
	s7 =	sshll.u32 s9, $0x7;
	s25 =	sshll.u32 s9, $0xE  }
0xb: {  	s8 =	sshll.u32 s6, $0x6;
	_ =	strace $0x80000047;
	s26 =	sshll.u32 s6, $0xD  }
0xc: {  	s16 =	ssub.s32 $0x2, s6;
	s6 =	simm.s32 $0x400;
	s7 =	sor.u32 s8, s7  }
0xd: {  	s10 =	sor.u32 s26, s25;
	s18 =	sshrl.u32 s16, $0x1;
	s26 =	simm.s32 $0x280  }
0xe: {  	s25 =	simm.s32 $0x4;
	s0 =	sadd.s32 s0, s7;
	s7 =	sadd.s32 s1, s7  }
0xf: {  	s11 =	sadd.s32 s4, s10;
	s12 =	sor.u32 $0x800, s10;
	s8 =	sor.u32 $0x1000, s10  }
0x10: {  	s9 =	sor.u32 $0x1800, s10;
	s17 =	sadd.s32 s5, s10;
	[dreg:$0x6] =	wrdreg s0  }
0x11: {  	s1 =	ssub.s32 s16, s18;
	s16 =	simm.s32 $0x14400;
	[dreg:$0x7] =	wrdreg s7  }
0x12: {  	s18 =	simm.s32 $0x6;
	s10 =	simm.s32 $0xB;
	[dreg:$0x8] =	wrdreg s11  }
0x13: {  	s13 =	sadd.s32 s4, s12;
	s14 =	sadd.s32 s4, s8;
	s15 =	sadd.s32 s4, s9  }
0x14: {  	[dreg:$0xc] =	wrdreg s17;
	s19 =	sadd.s32 s5, s12;
	s20 =	sadd.s32 s5, s8  }
0x15: {  	s4 =	sadd.s32 s5, s9;
	s21 =	smax.u32 s1, $0x1;
	s5 =	simm.s32 $0x4400  }
0x16: {  	s9 =	simm.s32 $0x1;
	s8 =	simm.s32 $0x2;
	[dreg:$0x9] =	wrdreg s13  }
0x17: {  	s17 =	simm.s32 $0x10400;
	[dreg:$0xa] =	wrdreg s14;
	p1 =	sne.s32 s21, $0x1  }
.Ltmp0:
0x18: {  	s11 =	simm.s32 $0x7;
	[dreg:$0xb] =	wrdreg s15;
	(pc) =	sbr.rel @!p1 .LBB2_3-.Ltmp0, $4  }
0x19: {  	s12 =	simm.s32 $0x8;
	s7 =	simm.s32 $0xC;
	[dreg:$0xd] =	wrdreg s19  }
0x1a: {  	[dreg:$0xe] =	wrdreg s20;
	s14 =	simm.s32 $0x80;
	s19 =	simm.s32 $0xC400  }
0x1b: {  	s20 =	simm.s32 $0x5;
	s0 =	sadd.s32 $0xFFFFFFFF, s21;
	s21 =	simm.s32 $0x380  }
0x1c: {  	s15 =	simm.s32 $0x9;
	s13 =	simm.s32 $0xA;
	s1 =	rddreg [dreg:$0x6]  }
0x1d: {  	[tilespmem:s2], [sflag:$0xD] =	stream.linear.gather [hbm4b:s1+s2], $0x200, $0x38;
	[tilespmem:$0x18400] =	vst v63  }
0x1e: {  	_ =	swait.ge [sflag:s30], $0x200  }
0x1f: {  	[sflag:s30] =	ssyncset.done $0x0  }
0x20: {  	s1 =	rddreg [dreg:$0x7];
	[sflag:s30] =	ssyncadd.s32 $0xFFFFFE00  }
0x21: {  	[tilespmem:s22], [sflag:$0xD] =	stream.linear.gather [hbm4b:s1+s2], $0x200, $0x38;
	[tilespmem:$0x18400] =	vst v63  }
0x22: {  	_ =	swait.ge [sflag:s30], $0x200  }
0x23: {  	[sflag:s30] =	ssyncset.done $0x0  }
0x24: {  	[sflag:s30] =	ssyncadd.s32 $0xFFFFFE00  }
0x25: {  	[tilespmem:s6], [sflag:$0x1] =	stream.indirect.gather [hbm4b:s3+s14], $0x80, s2, s14, $0xb8;
	[tilespmem:$0x18400] =	vst v63  }
0x26: {  	_ = 	snop  }
0x27: {  	[tilespmem:s5], [sflag:$0x2] =	stream.indirect.gather [hbm4b:s3+s14], $0x80, s14, s14, $0xb8;
	[tilespmem:$0x18400] =	vst v63  }
0x28: {  	_ = 	snop  }
0x29: {  	[tilespmem:s23], [sflag:$0x3] =	stream.indirect.gather [hbm4b:s3+s14], $0x80, s31, s14, $0xb8;
	[tilespmem:$0x18400] =	vst v63  }
0x2a: {  	_ =	swait.ge [sflag:s9], $0x4000  }
0x2b: {  	[sflag:s9] =	ssyncset.done $0x0  }
0x2c: {  	s1 =	rddreg [dreg:$0x8];
	[sflag:s9] =	ssyncadd.s32 $0xFFFFC000  }
0x2d: {  	[hbm4b:s1+s2] =	stream.linear.scatter [tilespmem:s6], [sflag:$0x7], $0x4000, $0x38;
	[tilespmem:$0x18400] =	vst v63  }
0x2e: {  	_ = 	snop  }
0x2f: {  	[tilespmem:s19], [sflag:$0x4] =	stream.indirect.gather [hbm4b:s3+s14], $0x80, s29, s14, $0xb8;
	[tilespmem:$0x18400] =	vst v63  }
0x30: {  	_ =	swait.ge [sflag:s8], $0x4000  }
0x31: {  	[sflag:s8] =	ssyncset.done $0x0  }
0x32: {  	s1 =	rddreg [dreg:$0x9];
	[sflag:s8] =	ssyncadd.s32 $0xFFFFC000  }
0x33: {  	[hbm4b:s1+s2] =	stream.linear.scatter [tilespmem:s5], [sflag:$0x8], $0x4000, $0x38;
	[tilespmem:$0x18400] =	vst v63  }
0x34: {  	_ = 	snop  }
0x35: {  	[tilespmem:s17], [sflag:$0x5] =	stream.indirect.gather [hbm4b:s3+s14], $0x80, s22, s14, $0xb8;
	[tilespmem:$0x18400] =	vst v63  }
0x36: {  	_ =	swait.ge [sflag:s28], $0x4000  }
0x37: {  	[sflag:s28] =	ssyncset.done $0x0  }
0x38: {  	s1 =	rddreg [dreg:$0xa];
	[sflag:s28] =	ssyncadd.s32 $0xFFFFC000  }
0x39: {  	[hbm4b:s1+s2] =	stream.linear.scatter [tilespmem:s23], [sflag:$0x9], $0x4000, $0x38;
	[tilespmem:$0x18400] =	vst v63  }
0x3a: {  	_ = 	snop  }
0x3b: {  	[tilespmem:s16], [sflag:$0x6] =	stream.indirect.gather [hbm4b:s3+s14], $0x80, s26, s14, $0xb8;
	[tilespmem:$0x18400] =	vst v63  }
0x3c: {  	_ =	swait.ge [sflag:s25], $0x4000  }
0x3d: {  	[sflag:s25] =	ssyncset.done $0x0  }
0x3e: {  	s1 =	rddreg [dreg:$0xb];
	[sflag:s25] =	ssyncadd.s32 $0xFFFFC000  }
0x3f: {  	[hbm4b:s1+s2] =	stream.linear.scatter [tilespmem:s19], [sflag:$0xA], $0x4000, $0x38;
	[tilespmem:$0x18400] =	vst v63  }
0x40: {  	_ =	swait.ge [sflag:s11], $0x4000  }
0x41: {  	[sflag:s11] =	ssyncset.done $0x0  }
0x42: {  	[sflag:s11] =	ssyncadd.s32 $0xFFFFC000  }
0x43: {  	[tilespmem:s6], [sflag:$0x1] =	stream.indirect.gather [hbm4b:s3+s14], $0x80, s24, s14, $0xb8;
	[tilespmem:$0x18400] =	vst v63  }
0x44: {  	_ =	swait.ge [sflag:s20], $0x4000  }
0x45: {  	[sflag:s20] =	ssyncset.done $0x0  }
0x46: {  	s1 =	rddreg [dreg:$0xc];
	[sflag:s20] =	ssyncadd.s32 $0xFFFFC000  }
0x47: {  	[hbm4b:s1+s2] =	stream.linear.scatter [tilespmem:s17], [sflag:$0xB], $0x4000, $0x38;
	[tilespmem:$0x18400] =	vst v63  }
0x48: {  	_ =	swait.ge [sflag:s12], $0x4000  }
0x49: {  	[sflag:s12] =	ssyncset.done $0x0  }
0x4a: {  	[sflag:s12] =	ssyncadd.s32 $0xFFFFC000  }
0x4b: {  	[tilespmem:s5], [sflag:$0x2] =	stream.indirect.gather [hbm4b:s3+s14], $0x80, s21, s14, $0xb8;
	[tilespmem:$0x18400] =	vst v63  }
0x4c: {  	_ =	swait.ge [sflag:s18], $0x4000  }
0x4d: {  	[sflag:s18] =	ssyncset.done $0x0  }
0x4e: {  	s1 =	rddreg [dreg:$0xd];
	[sflag:s18] =	ssyncadd.s32 $0xFFFFC000  }
0x4f: {  	[hbm4b:s1+s2] =	stream.linear.scatter [tilespmem:s16], [sflag:$0xC], $0x4000, $0x38;
	[tilespmem:$0x18400] =	vst v63  }
0x50: {  	_ =	swait.ge [sflag:s9], $0x4000  }
0x51: {  	[sflag:s9] =	ssyncset.done $0x0  }
0x52: {  	s1 =	rddreg [dreg:$0xe];
	[sflag:s9] =	ssyncadd.s32 $0xFFFFC000  }
0x53: {  	[hbm4b:s1+s2] =	stream.linear.scatter [tilespmem:s6], [sflag:$0x7], $0x4000, $0x38;
	[tilespmem:$0x18400] =	vst v63  }
0x54: {  	_ =	swait.ge [sflag:s8], $0x4000  }
0x55: {  	[sflag:s8] =	ssyncset.done $0x0  }
0x56: {  	[sflag:s8] =	ssyncadd.s32 $0xFFFFC000  }
0x57: {  	[hbm4b:s4+s2] =	stream.linear.scatter [tilespmem:s5], [sflag:$0x8], $0x4000, $0x38;
	[tilespmem:$0x18400] =	vst v63  }
0x58: {  	_ =	swait.ge [sflag:s11], $0x4000  }
0x59: {  	[sflag:s11] =	ssyncset.done $0x0  }
0x5a: {  	[sflag:s11] =	ssyncadd.s32 $0xFFFFC000  }
0x5b: {  	_ =	swait.ge [sflag:s12], $0x4000  }
0x5c: {  	[sflag:s12] =	ssyncset.done $0x0  }
0x5d: {  	[sflag:s12] =	ssyncadd.s32 $0xFFFFC000  }
0x5e: {  	_ =	swait.ge [sflag:s15], $0x4000  }
0x5f: {  	[sflag:s15] =	ssyncset.done $0x0  }
0x60: {  	[sflag:s15] =	ssyncadd.s32 $0xFFFFC000  }
0x61: {  	_ =	swait.ge [sflag:s13], $0x4000  }
0x62: {  	[sflag:s13] =	ssyncset.done $0x0  }
0x63: {  	p1 =	sne.s32 s0, $0x1;
	[sflag:s13] =	ssyncadd.s32 $0xFFFFC000  }
.Ltmp1:
0x64: {  	_ =	swait.ge [sflag:s10], $0x4000;
	(pc) =	sbr.rel @!p1 .LBB2_3-.Ltmp1, $4  }
0x65: {  	[sflag:s10] =	ssyncset.done $0x0  }
0x66: {  	[sflag:s10] =	ssyncadd.s32 $0xFFFFC000  }
0x67: {  	s0 =	sadd.s32 $0xFFFFFFFF, s0;
	_ =	swait.ge [sflag:s7], $0x4000  }
0x68: {  	p0 =	por $0x1, $0x1;
	s1 =	rddreg [dreg:$0x6];
	[sflag:s7] =	ssyncset.done $0x0  }
.LBB2_2:
0x69: {  	[sflag:s7] =	ssyncadd.s32 $0xFFFFC000  }
0x6a: {  	[tilespmem:s2], [sflag:$0xD] =	stream.linear.gather [hbm4b:s1+s2], $0x200, $0x38;
	[tilespmem:$0x18400] =	vst v63  }
0x6b: {  	_ =	swait.ge [sflag:s30], $0x200  }
0x6c: {  	[sflag:s30] =	ssyncset.done $0x0  }
0x6d: {  	s1 =	rddreg [dreg:$0x7];
	[sflag:s30] =	ssyncadd.s32 $0xFFFFFE00  }
0x6e: {  	[tilespmem:s22], [sflag:$0xD] =	stream.linear.gather [hbm4b:s1+s2], $0x200, $0x38;
	[tilespmem:$0x18400] =	vst v63  }
0x6f: {  	_ =	swait.ge [sflag:s30], $0x200  }
0x70: {  	[sflag:s30] =	ssyncset.done $0x0  }
0x71: {  	[sflag:s30] =	ssyncadd.s32 $0xFFFFFE00  }
0x72: {  	[tilespmem:s6], [sflag:$0x1] =	stream.indirect.gather [hbm4b:s3+s14], $0x80, s2, s14, $0xb8;
	[tilespmem:$0x18400] =	vst v63  }
0x73: {  	_ = 	snop  }
0x74: {  	[tilespmem:s5], [sflag:$0x2] =	stream.indirect.gather [hbm4b:s3+s14], $0x80, s14, s14, $0xb8;
	[tilespmem:$0x18400] =	vst v63  }
0x75: {  	_ = 	snop  }
0x76: {  	[tilespmem:s23], [sflag:$0x3] =	stream.indirect.gather [hbm4b:s3+s14], $0x80, s31, s14, $0xb8;
	[tilespmem:$0x18400] =	vst v63  }
0x77: {  	_ =	swait.ge [sflag:s9], $0x4000  }
0x78: {  	[sflag:s9] =	ssyncset.done $0x0  }
0x79: {  	s1 =	rddreg [dreg:$0x8];
	[sflag:s9] =	ssyncadd.s32 $0xFFFFC000  }
0x7a: {  	[hbm4b:s1+s2] =	stream.linear.scatter [tilespmem:s6], [sflag:$0x7], $0x4000, $0x38;
	[tilespmem:$0x18400] =	vst v63  }
0x7b: {  	_ = 	snop  }
0x7c: {  	[tilespmem:s19], [sflag:$0x4] =	stream.indirect.gather [hbm4b:s3+s14], $0x80, s29, s14, $0xb8;
	[tilespmem:$0x18400] =	vst v63  }
0x7d: {  	_ =	swait.ge [sflag:s8], $0x4000  }
0x7e: {  	[sflag:s8] =	ssyncset.done $0x0  }
0x7f: {  	s1 =	rddreg [dreg:$0x9];
	[sflag:s8] =	ssyncadd.s32 $0xFFFFC000  }
0x80: {  	[hbm4b:s1+s2] =	stream.linear.scatter [tilespmem:s5], [sflag:$0x8], $0x4000, $0x38;
	[tilespmem:$0x18400] =	vst v63  }
0x81: {  	_ = 	snop  }
0x82: {  	[tilespmem:s17], [sflag:$0x5] =	stream.indirect.gather [hbm4b:s3+s14], $0x80, s22, s14, $0xb8;
	[tilespmem:$0x18400] =	vst v63  }
0x83: {  	_ =	swait.ge [sflag:s28], $0x4000  }
0x84: {  	[sflag:s28] =	ssyncset.done $0x0  }
0x85: {  	s1 =	rddreg [dreg:$0xa];
	[sflag:s28] =	ssyncadd.s32 $0xFFFFC000  }
0x86: {  	[hbm4b:s1+s2] =	stream.linear.scatter [tilespmem:s23], [sflag:$0x9], $0x4000, $0x38;
	[tilespmem:$0x18400] =	vst v63  }
0x87: {  	_ = 	snop  }
0x88: {  	[tilespmem:s16], [sflag:$0x6] =	stream.indirect.gather [hbm4b:s3+s14], $0x80, s26, s14, $0xb8;
	[tilespmem:$0x18400] =	vst v63  }
0x89: {  	_ =	swait.ge [sflag:s25], $0x4000  }
0x8a: {  	[sflag:s25] =	ssyncset.done $0x0  }
0x8b: {  	s1 =	rddreg [dreg:$0xb];
	[sflag:s25] =	ssyncadd.s32 $0xFFFFC000  }
0x8c: {  	[hbm4b:s1+s2] =	stream.linear.scatter [tilespmem:s19], [sflag:$0xA], $0x4000, $0x38;
	[tilespmem:$0x18400] =	vst v63  }
0x8d: {  	_ =	swait.ge [sflag:s11], $0x4000  }
0x8e: {  	[sflag:s11] =	ssyncset.done $0x0  }
0x8f: {  	[sflag:s11] =	ssyncadd.s32 $0xFFFFC000  }
0x90: {  	[tilespmem:s6], [sflag:$0x1] =	stream.indirect.gather [hbm4b:s3+s14], $0x80, s24, s14, $0xb8;
	[tilespmem:$0x18400] =	vst v63  }
0x91: {  	_ =	swait.ge [sflag:s20], $0x4000  }
0x92: {  	[sflag:s20] =	ssyncset.done $0x0  }
0x93: {  	s1 =	rddreg [dreg:$0xc];
	[sflag:s20] =	ssyncadd.s32 $0xFFFFC000  }
0x94: {  	[hbm4b:s1+s2] =	stream.linear.scatter [tilespmem:s17], [sflag:$0xB], $0x4000, $0x38;
	[tilespmem:$0x18400] =	vst v63  }
0x95: {  	_ =	swait.ge [sflag:s12], $0x4000  }
0x96: {  	[sflag:s12] =	ssyncset.done $0x0  }
0x97: {  	[sflag:s12] =	ssyncadd.s32 $0xFFFFC000  }
0x98: {  	[tilespmem:s5], [sflag:$0x2] =	stream.indirect.gather [hbm4b:s3+s14], $0x80, s21, s14, $0xb8;
	[tilespmem:$0x18400] =	vst v63  }
0x99: {  	_ =	swait.ge [sflag:s18], $0x4000  }
0x9a: {  	[sflag:s18] =	ssyncset.done $0x0  }
0x9b: {  	s1 =	rddreg [dreg:$0xd];
	[sflag:s18] =	ssyncadd.s32 $0xFFFFC000  }
0x9c: {  	[hbm4b:s1+s2] =	stream.linear.scatter [tilespmem:s16], [sflag:$0xC], $0x4000, $0x38;
	[tilespmem:$0x18400] =	vst v63  }
0x9d: {  	_ =	swait.ge [sflag:s9], $0x4000  }
0x9e: {  	[sflag:s9] =	ssyncset.done $0x0  }
0x9f: {  	s1 =	rddreg [dreg:$0xe];
	[sflag:s9] =	ssyncadd.s32 $0xFFFFC000  }
0xa0: {  	[hbm4b:s1+s2] =	stream.linear.scatter [tilespmem:s6], [sflag:$0x7], $0x4000, $0x38;
	[tilespmem:$0x18400] =	vst v63  }
0xa1: {  	_ =	swait.ge [sflag:s8], $0x4000  }
0xa2: {  	[sflag:s8] =	ssyncset.done $0x0  }
0xa3: {  	[sflag:s8] =	ssyncadd.s32 $0xFFFFC000  }
0xa4: {  	[hbm4b:s4+s2] =	stream.linear.scatter [tilespmem:s5], [sflag:$0x8], $0x4000, $0x38;
	[tilespmem:$0x18400] =	vst v63  }
0xa5: {  	_ =	swait.ge [sflag:s11], $0x4000  }
0xa6: {  	[sflag:s11] =	ssyncset.done $0x0  }
0xa7: {  	[sflag:s11] =	ssyncadd.s32 $0xFFFFC000  }
0xa8: {  	_ =	swait.ge [sflag:s12], $0x4000  }
0xa9: {  	[sflag:s12] =	ssyncset.done $0x0  }
0xaa: {  	[sflag:s12] =	ssyncadd.s32 $0xFFFFC000  }
0xab: {  	_ =	swait.ge [sflag:s15], $0x4000  }
0xac: {  	[sflag:s15] =	ssyncset.done $0x0  }
0xad: {  	[sflag:s15] =	ssyncadd.s32 $0xFFFFC000  }
0xae: {  	_ =	swait.ge [sflag:s13], $0x4000  }
0xaf: {  	[sflag:s13] =	ssyncset.done $0x0  }
0xb0: {  	p1 =	sne.s32 s0, $0x1;
	[sflag:s13] =	ssyncadd.s32 $0xFFFFC000  }
.Ltmp2:
0xb1: {  	_ =	swait.ge [sflag:s10], $0x4000;
	(pc) =	sbr.rel @p1 .LBB2_2-.Ltmp2, $4  }
0xb2: {  	[sflag:s10] =	ssyncset.done $0x0  }
0xb3: {  	[sflag:s10] =	ssyncadd.s32 $0xFFFFC000  }
0xb4: {  	_ =	swait.ge [sflag:s7], $0x4000  }
0xb5: {  	s0 =	sadd.s32 $0xFFFFFFFF, s0;
	s1 =	rddreg [dreg:$0x6];
	[sflag:s7] =	ssyncset.done $0x0  }
.LBB2_3:
0xb6: {  	[sflag:s7] =	ssyncadd.s32 @p0 $0xFFFFC000  }
0xb7: {  	[tilespmem:s2], [sflag:$0xD] =	stream.linear.gather [hbm4b:s1+s2], $0x200, $0x38;
	[tilespmem:$0x18400] =	vst v63  }
0xb8: {  	_ =	swait.ge [sflag:s30], $0x200  }
0xb9: {  	[sflag:s30] =	ssyncset.done $0x0  }
0xba: {  	s0 =	rddreg [dreg:$0x7];
	[sflag:s30] =	ssyncadd.s32 $0xFFFFFE00  }
0xbb: {  	[tilespmem:s22], [sflag:$0xD] =	stream.linear.gather [hbm4b:s0+s2], $0x200, $0x38;
	[tilespmem:$0x18400] =	vst v63  }
0xbc: {  	_ =	swait.ge [sflag:s30], $0x200  }
0xbd: {  	[sflag:s30] =	ssyncset.done $0x0  }
0xbe: {  	[sflag:s30] =	ssyncadd.s32 $0xFFFFFE00  }
0xbf: {  	[tilespmem:s6], [sflag:$0x1] =	stream.indirect.gather [hbm4b:s3+s14], $0x80, s2, s14, $0xb8;
	[tilespmem:$0x18400] =	vst v63  }
0xc0: {  	_ = 	snop  }
0xc1: {  	[tilespmem:s5], [sflag:$0x2] =	stream.indirect.gather [hbm4b:s3+s14], $0x80, s14, s14, $0xb8;
	[tilespmem:$0x18400] =	vst v63  }
0xc2: {  	_ = 	snop  }
0xc3: {  	[tilespmem:s23], [sflag:$0x3] =	stream.indirect.gather [hbm4b:s3+s14], $0x80, s31, s14, $0xb8;
	[tilespmem:$0x18400] =	vst v63  }
0xc4: {  	_ =	swait.ge [sflag:s9], $0x4000  }
0xc5: {  	[sflag:s9] =	ssyncset.done $0x0  }
0xc6: {  	s31 =	rddreg [dreg:$0x8];
	[sflag:s9] =	ssyncadd.s32 $0xFFFFC000  }
0xc7: {  	[hbm4b:s31+s2] =	stream.linear.scatter [tilespmem:s6], [sflag:$0x7], $0x4000, $0x38;
	[tilespmem:$0x18400] =	vst v63  }
0xc8: {  	_ = 	snop  }
0xc9: {  	[tilespmem:s19], [sflag:$0x4] =	stream.indirect.gather [hbm4b:s3+s14], $0x80, s29, s14, $0xb8;
	[tilespmem:$0x18400] =	vst v63  }
0xca: {  	_ =	swait.ge [sflag:s8], $0x4000  }
0xcb: {  	[sflag:s8] =	ssyncset.done $0x0  }
0xcc: {  	s1 =	rddreg [dreg:$0x9];
	[sflag:s8] =	ssyncadd.s32 $0xFFFFC000  }
0xcd: {  	[hbm4b:s1+s2] =	stream.linear.scatter [tilespmem:s5], [sflag:$0x8], $0x4000, $0x38;
	[tilespmem:$0x18400] =	vst v63  }
0xce: {  	_ = 	snop  }
0xcf: {  	[tilespmem:s17], [sflag:$0x5] =	stream.indirect.gather [hbm4b:s3+s14], $0x80, s22, s14, $0xb8;
	[tilespmem:$0x18400] =	vst v63  }
0xd0: {  	_ =	swait.ge [sflag:s28], $0x4000  }
0xd1: {  	[sflag:s28] =	ssyncset.done $0x0  }
0xd2: {  	s22 =	rddreg [dreg:$0xa];
	[sflag:s28] =	ssyncadd.s32 $0xFFFFC000  }
0xd3: {  	[hbm4b:s22+s2] =	stream.linear.scatter [tilespmem:s23], [sflag:$0x9], $0x4000, $0x38;
	[tilespmem:$0x18400] =	vst v63  }
0xd4: {  	_ = 	snop  }
0xd5: {  	[tilespmem:s16], [sflag:$0x6] =	stream.indirect.gather [hbm4b:s3+s14], $0x80, s26, s14, $0xb8;
	[tilespmem:$0x18400] =	vst v63  }
0xd6: {  	_ =	swait.ge [sflag:s25], $0x4000  }
0xd7: {  	[sflag:s25] =	ssyncset.done $0x0  }
0xd8: {  	s26 =	rddreg [dreg:$0xb];
	[sflag:s25] =	ssyncadd.s32 $0xFFFFC000  }
0xd9: {  	[hbm4b:s26+s2] =	stream.linear.scatter [tilespmem:s19], [sflag:$0xA], $0x4000, $0x38;
	[tilespmem:$0x18400] =	vst v63  }
0xda: {  	_ =	swait.ge [sflag:s11], $0x4000  }
0xdb: {  	[sflag:s11] =	ssyncset.done $0x0  }
0xdc: {  	[sflag:s11] =	ssyncadd.s32 $0xFFFFC000  }
0xdd: {  	[tilespmem:s6], [sflag:$0x1] =	stream.indirect.gather [hbm4b:s3+s14], $0x80, s24, s14, $0xb8;
	[tilespmem:$0x18400] =	vst v63  }
0xde: {  	_ =	swait.ge [sflag:s20], $0x4000  }
0xdf: {  	[sflag:s20] =	ssyncset.done $0x0  }
0xe0: {  	s28 =	rddreg [dreg:$0xc];
	[sflag:s20] =	ssyncadd.s32 $0xFFFFC000  }
0xe1: {  	[hbm4b:s28+s2] =	stream.linear.scatter [tilespmem:s17], [sflag:$0xB], $0x4000, $0x38;
	[tilespmem:$0x18400] =	vst v63  }
0xe2: {  	_ =	swait.ge [sflag:s12], $0x4000  }
0xe3: {  	[sflag:s12] =	ssyncset.done $0x0  }
0xe4: {  	[sflag:s12] =	ssyncadd.s32 $0xFFFFC000  }
0xe5: {  	[tilespmem:s5], [sflag:$0x2] =	stream.indirect.gather [hbm4b:s3+s14], $0x80, s21, s14, $0xb8;
	[tilespmem:$0x18400] =	vst v63  }
0xe6: {  	_ =	swait.ge [sflag:s18], $0x4000  }
0xe7: {  	[sflag:s18] =	ssyncset.done $0x0  }
0xe8: {  	s29 =	rddreg [dreg:$0xd];
	[sflag:s18] =	ssyncadd.s32 $0xFFFFC000  }
0xe9: {  	[hbm4b:s29+s2] =	stream.linear.scatter [tilespmem:s16], [sflag:$0xC], $0x4000, $0x38;
	[tilespmem:$0x18400] =	vst v63  }
0xea: {  	_ =	swait.ge [sflag:s9], $0x4000  }
0xeb: {  	[sflag:s9] =	ssyncset.done $0x0  }
0xec: {  	s30 =	rddreg [dreg:$0xe];
	[sflag:s9] =	ssyncadd.s32 $0xFFFFC000  }
0xed: {  	[hbm4b:s30+s2] =	stream.linear.scatter [tilespmem:s6], [sflag:$0x7], $0x4000, $0x38;
	[tilespmem:$0x18400] =	vst v63  }
0xee: {  	_ =	swait.ge [sflag:s8], $0x4000  }
0xef: {  	[sflag:s8] =	ssyncset.done $0x0  }
0xf0: {  	[sflag:s8] =	ssyncadd.s32 $0xFFFFC000  }
0xf1: {  	[hbm4b:s4+s2] =	stream.linear.scatter [tilespmem:s5], [sflag:$0x8], $0x4000, $0x38;
	[tilespmem:$0x18400] =	vst v63  }
0xf2: {  	_ =	swait.ge [sflag:s11], $0x4000  }
0xf3: {  	[sflag:s11] =	ssyncset.done $0x0  }
0xf4: {  	[sflag:s11] =	ssyncadd.s32 $0xFFFFC000  }
0xf5: {  	_ =	swait.ge [sflag:s12], $0x4000  }
0xf6: {  	[sflag:s12] =	ssyncset.done $0x0  }
0xf7: {  	[sflag:s12] =	ssyncadd.s32 $0xFFFFC000  }
0xf8: {  	_ =	swait.ge [sflag:s15], $0x4000  }
0xf9: {  	[sflag:s15] =	ssyncset.done $0x0  }
0xfa: {  	[sflag:s15] =	ssyncadd.s32 $0xFFFFC000  }
0xfb: {  	_ =	swait.ge [sflag:s13], $0x4000  }
0xfc: {  	[sflag:s13] =	ssyncset.done $0x0  }
0xfd: {  	[sflag:s13] =	ssyncadd.s32 $0xFFFFC000  }
0xfe: {  	_ =	swait.ge [sflag:s10], $0x4000  }
0xff: {  	[sflag:s10] =	ssyncset.done $0x0  }
0x100: {  	[sflag:s10] =	ssyncadd.s32 $0xFFFFC000  }
0x101: {  	_ =	swait.ge [sflag:s7], $0x4000  }
0x102: {  	[sflag:s7] =	ssyncset.done $0x0  }
0x103: {  	[sflag:s7] =	ssyncadd.s32 $0xFFFFC000  }
0x104: {  	_ =	sfence.sel $0x180000  }
0x105: {  	[bflag:$0x0] =	sbarrier.arrive $0xFFFF  }
0x106: {  	_ =	strace $0x90000047  }
0x107: {  	s31 =	stileid.u32;
	[bflag:$0x2] =	sbarrier.arrive $0xFFFF  }
0x108: {  	p0 =	sne.s32 s31, $0x0;
	s0 =	rddreg [dreg:$0x5]  }
0x109: {  	s0 =	sadd.s32 @!p0 $0x100000, s0  }
0x10a: {  	[sflag:s0] =	ssyncadd.tile.s32 @!p0 $0x1;
	_ =	shalt  }
.Lfunc_end2:
_tile_overlayer_lowered:
.L_overlay_start_2:
0x10b: {  	(tag) =	ssettag $0x2  }
0x10c: {  	s0 =	rddreg [dreg:$0x0];
	s2 =	stileid.u32  }
0x10d: {  	s1 =	rddreg [dreg:$0x1];
	p0 =	sne.s32 s2, $0x0  }
0x10e: {  	s3 =	rddreg [dreg:$0x2];
	[bflag:$0x3] =	sbarrier.arrive $0xFFFF;
	s2 =	simm.s32 @!p0 $0x1C0D  }
0x10f: {  	[timem:s3], [sflag:s2] =	dma.local @!p0 [hbm:s0], s1  }
0x110: {  	s0 =	simm.s32 @!p0 $0xD  }
0x111: {  	_ =	swait.ge @!p0 [sflag:s0], s1  }
0x112: {  	s1 =	ssub.s32 @!p0 $0x0, s1;
	[sflag:s0] =	ssyncset.done @!p0 $0x0  }
0x113: {  	[sflag:s0] =	ssyncadd.s32 @!p0 s1  }
0x114: {  	[bflag:$0x3] =	sbarrier.arrive $0xFFFF  }
0x115: {  	_ =	shalt  }

</sc_bundles>
